<compile_context>
chip_gen: v7x
topology: tpu7x:2x2x1
jax: 0.10.2.dev20260603
libtpu: 0.0.44.dev20260713+nightly
codegen_flags: <defaults>
</compile_context>

<pallas_src>
import functools

import jax
import jax.numpy as jnp
from jax import lax
from jax.experimental import pallas as pl
from jax.experimental.pallas import tpu as pltpu
from jax.experimental.pallas import tpu_sc as plsc

N_CLASSES = 256
TOTAL_BINS = 8

NUM_CORES = 2
NUM_SUBCORES = 16
NUM_WORKERS = NUM_CORES * NUM_SUBCORES

IDX_MINOR = 128
ROWS = 16
CHUNK = ROWS * IDX_MINOR


def _make_sc_lookup(n_idx: int):
    assert n_idx % (NUM_WORKERS * CHUNK) == 0
    per_w = n_idx // NUM_WORKERS
    n_chunks = per_w // CHUNK

    mesh = plsc.VectorSubcoreMesh(
        core_axis_name="c", subcore_axis_name="s",
        num_cores=NUM_CORES, num_subcores=NUM_SUBCORES)

    @functools.partial(
        pl.kernel,
        out_type=jax.ShapeDtypeStruct((n_idx, TOTAL_BINS), jnp.float32),
        mesh=mesh,
        scratch_types=[
            pltpu.VMEM((ROWS, IDX_MINOR), jnp.int32),
            pltpu.VMEM((CHUNK, TOTAL_BINS), jnp.float32),
            pltpu.SemaphoreType.DMA,
        ],
        compiler_params=pltpu.CompilerParams(use_tc_tiling_on_sc=False),
    )
    def lookup(table_hbm, idx_hbm, out_hbm, idx_v, rows_v, sem):
        wid = lax.axis_index("s") * NUM_CORES + lax.axis_index("c")
        base_row = wid * (per_w // IDX_MINOR)

        def chunk_body(ci, carry):
            row0 = base_row + ci * ROWS
            pltpu.sync_copy(idx_hbm.at[pl.ds(row0, ROWS)], idx_v)
            copies = []
            for b in range(ROWS):
                copies.append(pltpu.async_copy(
                    table_hbm.at[idx_v.at[b]],
                    rows_v.at[pl.ds(b * IDX_MINOR, IDX_MINOR)],
                    sem))
            for c in copies:
                c.wait()
            off = (base_row + ci * ROWS) * IDX_MINOR
            pltpu.sync_copy(rows_v, out_hbm.at[pl.ds(off, CHUNK)])
            return carry

        lax.fori_loop(0, n_chunks, chunk_body, 0)

    return lookup


def kernel(codebook, idx):
    n_idx = idx.size
    idx2d = idx.reshape(n_idx // IDX_MINOR, IDX_MINOR)
    rows = _make_sc_lookup(n_idx)(codebook, idx2d)
    return rows.reshape(idx.shape + (2, TOTAL_BINS // 2))

# --- scband reference (transcript-rebuilt; emitter-appended) ---
"""Pipeline reference for scband-projection-codebook-23390391894656 (READ-ONLY COPY).

The authoritative reference and input builder live on the scoring server;
editing this copy changes nothing except your own understanding.
"""

import jax, jax.numpy as jnp
import numpy as np

N_CLASSES = 256
TOTAL_BINS = 8
N_BINS = 4

def _make_codebook():
    # Faithful to create_code_vectors: codebook[k][i] = i-th bit (little-endian) of k
    codes = jnp.arange(N_CLASSES)
    bits = (codes[:, None] >> jnp.arange(TOTAL_BINS)[None, :]) & 1
    return bits.astype(jnp.float32)

def setup_inputs(seed: int = 0) -> dict:
    key = jax.random.key(seed)
    idx = jax.random.randint(key, (16384, 200), 0, N_CLASSES, dtype=jnp.int32)
    codebook = _make_codebook()
    return {"codebook": codebook, "idx": idx}

def reference(codebook, idx):
    # idx_to_onehot: v = self.codebook(idx); rearrange '... (c b) -> ... c b', c=2
    v = jnp.take(codebook, idx, axis=0)  # (B, L, 8) embedding lookup
    return v.reshape(idx.shape + (2, N_BINS))  # (B, L, 2, 4)

if __name__ == "__main__":
    import jax
    _d = setup_inputs()
    print(jax.jit(kernel)(*tuple(_d.values())))

</pallas_src>

<mosaic_0001>
#map = affine_map<(d0, d1) -> (0, 0)>
module attributes {stable_mosaic.version = 14 : i64} {
  func.func @lookup(%arg0: i32, %arg1: i32, %arg2: memref<256x8xf32, #tpu.memory_space<hbm>>, %arg3: memref<25600x128xi32, #tpu.memory_space<hbm>>, %arg4: memref<3276800x8xf32, #tpu.memory_space<hbm>>, %arg5: memref<16x128xi32, #tpu.memory_space<vmem>>, %arg6: memref<2048x8xf32, #tpu.memory_space<vmem>>, %arg7: memref<!tpu.dma_semaphore, #tpu.memory_space<semaphore_mem>>) attributes {dimension_semantics = [#tpu.dimension_semantics<core_parallel>, #tpu.dimension_semantics<subcore_parallel>], iteration_bounds = array<i64: 2, 16>, scalar_prefetch = 0 : i64, scratch_operands = 3 : i64, tpu.core_type = #tpu.core_type<sc_vector_subcore>, window_params = [{transform_indices = #map}, {transform_indices = #map}, {transform_indices = #map}]} {
    %mul3A = arith.constant 2 : i32
    %mul3A_0 = arith.muli %arg1, %mul3A : i32
    %add3A = arith.addi %mul3A_0, %arg0 : i32
    %mul3A_1 = arith.constant 800 : i32
    %mul3A_2 = arith.muli %add3A, %mul3A_1 : i32
    %scan3A = arith.constant 0 : i32
    %scan3A_3 = arith.constant 0 : i32
    %scan3A_4 = arith.constant 50 : i32
    %scan3A_5 = arith.addi %scan3A_3, %scan3A_4 : i32
    %scan3A_6 = arith.constant 1 : i32
    scf.for %scan3A_8 = %scan3A_3 to %scan3A_5 step %scan3A_6  : i32 {
      %mul3A_9 = arith.constant 16 : i32
      %mul3A_10 = arith.muli %scan3A_8, %mul3A_9 : i32
      %add3A_11 = arith.addi %mul3A_2, %mul3A_10 : i32
      "tpu.region"() ({
        %run_scoped3A = tpu.sem_alloc : memref<!tpu.dma_semaphore, #tpu.memory_space<semaphore_mem>>
        %dma_start3A_335 = arith.constant 0 : i32
        %dma_start3A_336 = tpu.memref_slice %arg3[%add3A_11, %dma_start3A_335] : memref<25600x128xi32, #tpu.memory_space<hbm>> -> memref<16x128xi32, #tpu.memory_space<hbm>>
        %dma_start3A_337 = arith.constant 0 : i32
        %dma_start3A_338 = tpu.memref_slice %arg3[%add3A_11, %dma_start3A_337] : memref<25600x128xi32, #tpu.memory_space<hbm>> -> memref<16x128xi32, #tpu.memory_space<hbm>>
        tpu.enqueue_dma source(%dma_start3A_338 : memref<16x128xi32, #tpu.memory_space<hbm>>) target(%arg5 : memref<16x128xi32, #tpu.memory_space<vmem>>) target_semaphore(%run_scoped3A : memref<!tpu.dma_semaphore, #tpu.memory_space<semaphore_mem>>)
        %dma_wait3A_339 = arith.constant 0 : i32
        %dma_wait3A_340 = tpu.memref_slice %arg3[%add3A_11, %dma_wait3A_339] : memref<25600x128xi32, #tpu.memory_space<hbm>> -> memref<16x128xi32, #tpu.memory_space<hbm>>
        %dma_wait3A_341 = arith.constant 0 : i32
        %dma_wait3A_342 = tpu.memref_slice %arg3[%add3A_11, %dma_wait3A_341] : memref<25600x128xi32, #tpu.memory_space<hbm>> -> memref<16x128xi32, #tpu.memory_space<hbm>>
        tpu.wait_dma2 semaphore(%run_scoped3A : memref<!tpu.dma_semaphore, #tpu.memory_space<semaphore_mem>>) src(%dma_wait3A_342 : memref<16x128xi32, #tpu.memory_space<hbm>>) dst(%arg5 : memref<16x128xi32, #tpu.memory_space<vmem>>)
        tpu.yield
      }) : () -> ()
      %dma_start3A = arith.constant 0 : i32
      %dma_start3A_12 = arith.constant 0 : i32
      %dma_start3A_13 = arith.constant 0 : i32
      %dma_start3A_14 = tpu.memref_slice %arg6[%dma_start3A_12, %dma_start3A_13] : memref<2048x8xf32, #tpu.memory_space<vmem>> -> memref<128x8xf32, #tpu.memory_space<vmem>>
      %dma_start3A_15 = arith.constant 0 : i32
      %dma_start3A_16 = tpu.memref_slice %arg5[%dma_start3A, %dma_start3A_15] : memref<16x128xi32, #tpu.memory_space<vmem>> -> memref<1x128xi32, #tpu.memory_space<vmem>>
      %dma_start3A_17 = tpu.memref_squeeze %dma_start3A_16 : memref<1x128xi32, #tpu.memory_space<vmem>> -> memref<128xi32, #tpu.memory_space<vmem>>
      %dma_start3A_18 = arith.constant 0 : i32
      %dma_start3A_19 = arith.constant 0 : i32
      %dma_start3A_20 = tpu.memref_slice %arg2[%dma_start3A_18, %dma_start3A_19] : memref<256x8xf32, #tpu.memory_space<hbm>> -> memref<256x8xf32, #tpu.memory_space<hbm>>
      tpu.enqueue_indirect_dma source(%dma_start3A_20 : memref<256x8xf32, #tpu.memory_space<hbm>>) target(%dma_start3A_14 : memref<128x8xf32, #tpu.memory_space<vmem>>) offsets(%dma_start3A_17 : memref<128xi32, #tpu.memory_space<vmem>>) semaphore(%arg7 : memref<!tpu.dma_semaphore, #tpu.memory_space<semaphore_mem>>)
      %dma_start3A_21 = arith.constant 1 : i32
      %dma_start3A_22 = arith.constant 128 : i32
      %dma_start3A_23 = arith.constant 0 : i32
      %dma_start3A_24 = tpu.memref_slice %arg6[%dma_start3A_22, %dma_start3A_23] : memref<2048x8xf32, #tpu.memory_space<vmem>> -> memref<128x8xf32, #tpu.memory_space<vmem>>
      %dma_start3A_25 = arith.constant 0 : i32
      %dma_start3A_26 = tpu.memref_slice %arg5[%dma_start3A_21, %dma_start3A_25] : memref<16x128xi32, #tpu.memory_space<vmem>> -> memref<1x128xi32, #tpu.memory_space<vmem>>
      %dma_start3A_27 = tpu.memref_squeeze %dma_start3A_26 : memref<1x128xi32, #tpu.memory_space<vmem>> -> memref<128xi32, #tpu.memory_space<vmem>>
      %dma_start3A_28 = arith.constant 0 : i32
      %dma_start3A_29 = arith.constant 0 : i32
      %dma_start3A_30 = tpu.memref_slice %arg2[%dma_start3A_28, %dma_start3A_29] : memref<256x8xf32, #tpu.memory_space<hbm>> -> memref<256x8xf32, #tpu.memory_space<hbm>>
      tpu.enqueue_indirect_dma source(%dma_start3A_30 : memref<256x8xf32, #tpu.memory_space<hbm>>) target(%dma_start3A_24 : memref<128x8xf32, #tpu.memory_space<vmem>>) offsets(%dma_start3A_27 : memref<128xi32, #tpu.memory_space<vmem>>) semaphore(%arg7 : memref<!tpu.dma_semaphore, #tpu.memory_space<semaphore_mem>>)
      %dma_start3A_31 = arith.constant 2 : i32
      %dma_start3A_32 = arith.constant 256 : i32
      %dma_start3A_33 = arith.constant 0 : i32
      %dma_start3A_34 = tpu.memref_slice %arg6[%dma_start3A_32, %dma_start3A_33] : memref<2048x8xf32, #tpu.memory_space<vmem>> -> memref<128x8xf32, #tpu.memory_space<vmem>>
      %dma_start3A_35 = arith.constant 0 : i32
      %dma_start3A_36 = tpu.memref_slice %arg5[%dma_start3A_31, %dma_start3A_35] : memref<16x128xi32, #tpu.memory_space<vmem>> -> memref<1x128xi32, #tpu.memory_space<vmem>>
      %dma_start3A_37 = tpu.memref_squeeze %dma_start3A_36 : memref<1x128xi32, #tpu.memory_space<vmem>> -> memref<128xi32, #tpu.memory_space<vmem>>
      %dma_start3A_38 = arith.constant 0 : i32
      %dma_start3A_39 = arith.constant 0 : i32
      %dma_start3A_40 = tpu.memref_slice %arg2[%dma_start3A_38, %dma_start3A_39] : memref<256x8xf32, #tpu.memory_space<hbm>> -> memref<256x8xf32, #tpu.memory_space<hbm>>
      tpu.enqueue_indirect_dma source(%dma_start3A_40 : memref<256x8xf32, #tpu.memory_space<hbm>>) target(%dma_start3A_34 : memref<128x8xf32, #tpu.memory_space<vmem>>) offsets(%dma_start3A_37 : memref<128xi32, #tpu.memory_space<vmem>>) semaphore(%arg7 : memref<!tpu.dma_semaphore, #tpu.memory_space<semaphore_mem>>)
      %dma_start3A_41 = arith.constant 3 : i32
      %dma_start3A_42 = arith.constant 384 : i32
      %dma_start3A_43 = arith.constant 0 : i32
      %dma_start3A_44 = tpu.memref_slice %arg6[%dma_start3A_42, %dma_start3A_43] : memref<2048x8xf32, #tpu.memory_space<vmem>> -> memref<128x8xf32, #tpu.memory_space<vmem>>
      %dma_start3A_45 = arith.constant 0 : i32
      %dma_start3A_46 = tpu.memref_slice %arg5[%dma_start3A_41, %dma_start3A_45] : memref<16x128xi32, #tpu.memory_space<vmem>> -> memref<1x128xi32, #tpu.memory_space<vmem>>
      %dma_start3A_47 = tpu.memref_squeeze %dma_start3A_46 : memref<1x128xi32, #tpu.memory_space<vmem>> -> memref<128xi32, #tpu.memory_space<vmem>>
      %dma_start3A_48 = arith.constant 0 : i32
      %dma_start3A_49 = arith.constant 0 : i32
      %dma_start3A_50 = tpu.memref_slice %arg2[%dma_start3A_48, %dma_start3A_49] : memref<256x8xf32, #tpu.memory_space<hbm>> -> memref<256x8xf32, #tpu.memory_space<hbm>>
      tpu.enqueue_indirect_dma source(%dma_start3A_50 : memref<256x8xf32, #tpu.memory_space<hbm>>) target(%dma_start3A_44 : memref<128x8xf32, #tpu.memory_space<vmem>>) offsets(%dma_start3A_47 : memref<128xi32, #tpu.memory_space<vmem>>) semaphore(%arg7 : memref<!tpu.dma_semaphore, #tpu.memory_space<semaphore_mem>>)
      %dma_start3A_51 = arith.constant 4 : i32
      %dma_start3A_52 = arith.constant 512 : i32
      %dma_start3A_53 = arith.constant 0 : i32
      %dma_start3A_54 = tpu.memref_slice %arg6[%dma_start3A_52, %dma_start3A_53] : memref<2048x8xf32, #tpu.memory_space<vmem>> -> memref<128x8xf32, #tpu.memory_space<vmem>>
      %dma_start3A_55 = arith.constant 0 : i32
      %dma_start3A_56 = tpu.memref_slice %arg5[%dma_start3A_51, %dma_start3A_55] : memref<16x128xi32, #tpu.memory_space<vmem>> -> memref<1x128xi32, #tpu.memory_space<vmem>>
      %dma_start3A_57 = tpu.memref_squeeze %dma_start3A_56 : memref<1x128xi32, #tpu.memory_space<vmem>> -> memref<128xi32, #tpu.memory_space<vmem>>
      %dma_start3A_58 = arith.constant 0 : i32
      %dma_start3A_59 = arith.constant 0 : i32
      %dma_start3A_60 = tpu.memref_slice %arg2[%dma_start3A_58, %dma_start3A_59] : memref<256x8xf32, #tpu.memory_space<hbm>> -> memref<256x8xf32, #tpu.memory_space<hbm>>
      tpu.enqueue_indirect_dma source(%dma_start3A_60 : memref<256x8xf32, #tpu.memory_space<hbm>>) target(%dma_start3A_54 : memref<128x8xf32, #tpu.memory_space<vmem>>) offsets(%dma_start3A_57 : memref<128xi32, #tpu.memory_space<vmem>>) semaphore(%arg7 : memref<!tpu.dma_semaphore, #tpu.memory_space<semaphore_mem>>)
      %dma_start3A_61 = arith.constant 5 : i32
      %dma_start3A_62 = arith.constant 640 : i32
      %dma_start3A_63 = arith.constant 0 : i32
      %dma_start3A_64 = tpu.memref_slice %arg6[%dma_start3A_62, %dma_start3A_63] : memref<2048x8xf32, #tpu.memory_space<vmem>> -> memref<128x8xf32, #tpu.memory_space<vmem>>
      %dma_start3A_65 = arith.constant 0 : i32
      %dma_start3A_66 = tpu.memref_slice %arg5[%dma_start3A_61, %dma_start3A_65] : memref<16x128xi32, #tpu.memory_space<vmem>> -> memref<1x128xi32, #tpu.memory_space<vmem>>
      %dma_start3A_67 = tpu.memref_squeeze %dma_start3A_66 : memref<1x128xi32, #tpu.memory_space<vmem>> -> memref<128xi32, #tpu.memory_space<vmem>>
      %dma_start3A_68 = arith.constant 0 : i32
      %dma_start3A_69 = arith.constant 0 : i32
      %dma_start3A_70 = tpu.memref_slice %arg2[%dma_start3A_68, %dma_start3A_69] : memref<256x8xf32, #tpu.memory_space<hbm>> -> memref<256x8xf32, #tpu.memory_space<hbm>>
      tpu.enqueue_indirect_dma source(%dma_start3A_70 : memref<256x8xf32, #tpu.memory_space<hbm>>) target(%dma_start3A_64 : memref<128x8xf32, #tpu.memory_space<vmem>>) offsets(%dma_start3A_67 : memref<128xi32, #tpu.memory_space<vmem>>) semaphore(%arg7 : memref<!tpu.dma_semaphore, #tpu.memory_space<semaphore_mem>>)
      %dma_start3A_71 = arith.constant 6 : i32
      %dma_start3A_72 = arith.constant 768 : i32
      %dma_start3A_73 = arith.constant 0 : i32
      %dma_start3A_74 = tpu.memref_slice %arg6[%dma_start3A_72, %dma_start3A_73] : memref<2048x8xf32, #tpu.memory_space<vmem>> -> memref<128x8xf32, #tpu.memory_space<vmem>>
      %dma_start3A_75 = arith.constant 0 : i32
      %dma_start3A_76 = tpu.memref_slice %arg5[%dma_start3A_71, %dma_start3A_75] : memref<16x128xi32, #tpu.memory_space<vmem>> -> memref<1x128xi32, #tpu.memory_space<vmem>>
      %dma_start3A_77 = tpu.memref_squeeze %dma_start3A_76 : memref<1x128xi32, #tpu.memory_space<vmem>> -> memref<128xi32, #tpu.memory_space<vmem>>
      %dma_start3A_78 = arith.constant 0 : i32
      %dma_start3A_79 = arith.constant 0 : i32
      %dma_start3A_80 = tpu.memref_slice %arg2[%dma_start3A_78, %dma_start3A_79] : memref<256x8xf32, #tpu.memory_space<hbm>> -> memref<256x8xf32, #tpu.memory_space<hbm>>
      tpu.enqueue_indirect_dma source(%dma_start3A_80 : memref<256x8xf32, #tpu.memory_space<hbm>>) target(%dma_start3A_74 : memref<128x8xf32, #tpu.memory_space<vmem>>) offsets(%dma_start3A_77 : memref<128xi32, #tpu.memory_space<vmem>>) semaphore(%arg7 : memref<!tpu.dma_semaphore, #tpu.memory_space<semaphore_mem>>)
      %dma_start3A_81 = arith.constant 7 : i32
      %dma_start3A_82 = arith.constant 896 : i32
      %dma_start3A_83 = arith.constant 0 : i32
      %dma_start3A_84 = tpu.memref_slice %arg6[%dma_start3A_82, %dma_start3A_83] : memref<2048x8xf32, #tpu.memory_space<vmem>> -> memref<128x8xf32, #tpu.memory_space<vmem>>
      %dma_start3A_85 = arith.constant 0 : i32
      %dma_start3A_86 = tpu.memref_slice %arg5[%dma_start3A_81, %dma_start3A_85] : memref<16x128xi32, #tpu.memory_space<vmem>> -> memref<1x128xi32, #tpu.memory_space<vmem>>
      %dma_start3A_87 = tpu.memref_squeeze %dma_start3A_86 : memref<1x128xi32, #tpu.memory_space<vmem>> -> memref<128xi32, #tpu.memory_space<vmem>>
      %dma_start3A_88 = arith.constant 0 : i32
      %dma_start3A_89 = arith.constant 0 : i32
      %dma_start3A_90 = tpu.memref_slice %arg2[%dma_start3A_88, %dma_start3A_89] : memref<256x8xf32, #tpu.memory_space<hbm>> -> memref<256x8xf32, #tpu.memory_space<hbm>>
      tpu.enqueue_indirect_dma source(%dma_start3A_90 : memref<256x8xf32, #tpu.memory_space<hbm>>) target(%dma_start3A_84 : memref<128x8xf32, #tpu.memory_space<vmem>>) offsets(%dma_start3A_87 : memref<128xi32, #tpu.memory_space<vmem>>) semaphore(%arg7 : memref<!tpu.dma_semaphore, #tpu.memory_space<semaphore_mem>>)
      %dma_start3A_91 = arith.constant 8 : i32
      %dma_start3A_92 = arith.constant 1024 : i32
      %dma_start3A_93 = arith.constant 0 : i32
      %dma_start3A_94 = tpu.memref_slice %arg6[%dma_start3A_92, %dma_start3A_93] : memref<2048x8xf32, #tpu.memory_space<vmem>> -> memref<128x8xf32, #tpu.memory_space<vmem>>
      %dma_start3A_95 = arith.constant 0 : i32
      %dma_start3A_96 = tpu.memref_slice %arg5[%dma_start3A_91, %dma_start3A_95] : memref<16x128xi32, #tpu.memory_space<vmem>> -> memref<1x128xi32, #tpu.memory_space<vmem>>
      %dma_start3A_97 = tpu.memref_squeeze %dma_start3A_96 : memref<1x128xi32, #tpu.memory_space<vmem>> -> memref<128xi32, #tpu.memory_space<vmem>>
      %dma_start3A_98 = arith.constant 0 : i32
      %dma_start3A_99 = arith.constant 0 : i32
      %dma_start3A_100 = tpu.memref_slice %arg2[%dma_start3A_98, %dma_start3A_99] : memref<256x8xf32, #tpu.memory_space<hbm>> -> memref<256x8xf32, #tpu.memory_space<hbm>>
      tpu.enqueue_indirect_dma source(%dma_start3A_100 : memref<256x8xf32, #tpu.memory_space<hbm>>) target(%dma_start3A_94 : memref<128x8xf32, #tpu.memory_space<vmem>>) offsets(%dma_start3A_97 : memref<128xi32, #tpu.memory_space<vmem>>) semaphore(%arg7 : memref<!tpu.dma_semaphore, #tpu.memory_space<semaphore_mem>>)
      %dma_start3A_101 = arith.constant 9 : i32
      %dma_start3A_102 = arith.constant 1152 : i32
      %dma_start3A_103 = arith.constant 0 : i32
      %dma_start3A_104 = tpu.memref_slice %arg6[%dma_start3A_102, %dma_start3A_103] : memref<2048x8xf32, #tpu.memory_space<vmem>> -> memref<128x8xf32, #tpu.memory_space<vmem>>
      %dma_start3A_105 = arith.constant 0 : i32
      %dma_start3A_106 = tpu.memref_slice %arg5[%dma_start3A_101, %dma_start3A_105] : memref<16x128xi32, #tpu.memory_space<vmem>> -> memref<1x128xi32, #tpu.memory_space<vmem>>
      %dma_start3A_107 = tpu.memref_squeeze %dma_start3A_106 : memref<1x128xi32, #tpu.memory_space<vmem>> -> memref<128xi32, #tpu.memory_space<vmem>>
      %dma_start3A_108 = arith.constant 0 : i32
      %dma_start3A_109 = arith.constant 0 : i32
      %dma_start3A_110 = tpu.memref_slice %arg2[%dma_start3A_108, %dma_start3A_109] : memref<256x8xf32, #tpu.memory_space<hbm>> -> memref<256x8xf32, #tpu.memory_space<hbm>>
      tpu.enqueue_indirect_dma source(%dma_start3A_110 : memref<256x8xf32, #tpu.memory_space<hbm>>) target(%dma_start3A_104 : memref<128x8xf32, #tpu.memory_space<vmem>>) offsets(%dma_start3A_107 : memref<128xi32, #tpu.memory_space<vmem>>) semaphore(%arg7 : memref<!tpu.dma_semaphore, #tpu.memory_space<semaphore_mem>>)
      %dma_start3A_111 = arith.constant 10 : i32
      %dma_start3A_112 = arith.constant 1280 : i32
      %dma_start3A_113 = arith.constant 0 : i32
      %dma_start3A_114 = tpu.memref_slice %arg6[%dma_start3A_112, %dma_start3A_113] : memref<2048x8xf32, #tpu.memory_space<vmem>> -> memref<128x8xf32, #tpu.memory_space<vmem>>
      %dma_start3A_115 = arith.constant 0 : i32
      %dma_start3A_116 = tpu.memref_slice %arg5[%dma_start3A_111, %dma_start3A_115] : memref<16x128xi32, #tpu.memory_space<vmem>> -> memref<1x128xi32, #tpu.memory_space<vmem>>
      %dma_start3A_117 = tpu.memref_squeeze %dma_start3A_116 : memref<1x128xi32, #tpu.memory_space<vmem>> -> memref<128xi32, #tpu.memory_space<vmem>>
      %dma_start3A_118 = arith.constant 0 : i32
      %dma_start3A_119 = arith.constant 0 : i32
      %dma_start3A_120 = tpu.memref_slice %arg2[%dma_start3A_118, %dma_start3A_119] : memref<256x8xf32, #tpu.memory_space<hbm>> -> memref<256x8xf32, #tpu.memory_space<hbm>>
      tpu.enqueue_indirect_dma source(%dma_start3A_120 : memref<256x8xf32, #tpu.memory_space<hbm>>) target(%dma_start3A_114 : memref<128x8xf32, #tpu.memory_space<vmem>>) offsets(%dma_start3A_117 : memref<128xi32, #tpu.memory_space<vmem>>) semaphore(%arg7 : memref<!tpu.dma_semaphore, #tpu.memory_space<semaphore_mem>>)
      %dma_start3A_121 = arith.constant 11 : i32
      %dma_start3A_122 = arith.constant 1408 : i32
      %dma_start3A_123 = arith.constant 0 : i32
      %dma_start3A_124 = tpu.memref_slice %arg6[%dma_start3A_122, %dma_start3A_123] : memref<2048x8xf32, #tpu.memory_space<vmem>> -> memref<128x8xf32, #tpu.memory_space<vmem>>
      %dma_start3A_125 = arith.constant 0 : i32
      %dma_start3A_126 = tpu.memref_slice %arg5[%dma_start3A_121, %dma_start3A_125] : memref<16x128xi32, #tpu.memory_space<vmem>> -> memref<1x128xi32, #tpu.memory_space<vmem>>
      %dma_start3A_127 = tpu.memref_squeeze %dma_start3A_126 : memref<1x128xi32, #tpu.memory_space<vmem>> -> memref<128xi32, #tpu.memory_space<vmem>>
      %dma_start3A_128 = arith.constant 0 : i32
      %dma_start3A_129 = arith.constant 0 : i32
      %dma_start3A_130 = tpu.memref_slice %arg2[%dma_start3A_128, %dma_start3A_129] : memref<256x8xf32, #tpu.memory_space<hbm>> -> memref<256x8xf32, #tpu.memory_space<hbm>>
      tpu.enqueue_indirect_dma source(%dma_start3A_130 : memref<256x8xf32, #tpu.memory_space<hbm>>) target(%dma_start3A_124 : memref<128x8xf32, #tpu.memory_space<vmem>>) offsets(%dma_start3A_127 : memref<128xi32, #tpu.memory_space<vmem>>) semaphore(%arg7 : memref<!tpu.dma_semaphore, #tpu.memory_space<semaphore_mem>>)
      %dma_start3A_131 = arith.constant 12 : i32
      %dma_start3A_132 = arith.constant 1536 : i32
      %dma_start3A_133 = arith.constant 0 : i32
      %dma_start3A_134 = tpu.memref_slice %arg6[%dma_start3A_132, %dma_start3A_133] : memref<2048x8xf32, #tpu.memory_space<vmem>> -> memref<128x8xf32, #tpu.memory_space<vmem>>
      %dma_start3A_135 = arith.constant 0 : i32
      %dma_start3A_136 = tpu.memref_slice %arg5[%dma_start3A_131, %dma_start3A_135] : memref<16x128xi32, #tpu.memory_space<vmem>> -> memref<1x128xi32, #tpu.memory_space<vmem>>
      %dma_start3A_137 = tpu.memref_squeeze %dma_start3A_136 : memref<1x128xi32, #tpu.memory_space<vmem>> -> memref<128xi32, #tpu.memory_space<vmem>>
      %dma_start3A_138 = arith.constant 0 : i32
      %dma_start3A_139 = arith.constant 0 : i32
      %dma_start3A_140 = tpu.memref_slice %arg2[%dma_start3A_138, %dma_start3A_139] : memref<256x8xf32, #tpu.memory_space<hbm>> -> memref<256x8xf32, #tpu.memory_space<hbm>>
      tpu.enqueue_indirect_dma source(%dma_start3A_140 : memref<256x8xf32, #tpu.memory_space<hbm>>) target(%dma_start3A_134 : memref<128x8xf32, #tpu.memory_space<vmem>>) offsets(%dma_start3A_137 : memref<128xi32, #tpu.memory_space<vmem>>) semaphore(%arg7 : memref<!tpu.dma_semaphore, #tpu.memory_space<semaphore_mem>>)
      %dma_start3A_141 = arith.constant 13 : i32
      %dma_start3A_142 = arith.constant 1664 : i32
      %dma_start3A_143 = arith.constant 0 : i32
      %dma_start3A_144 = tpu.memref_slice %arg6[%dma_start3A_142, %dma_start3A_143] : memref<2048x8xf32, #tpu.memory_space<vmem>> -> memref<128x8xf32, #tpu.memory_space<vmem>>
      %dma_start3A_145 = arith.constant 0 : i32
      %dma_start3A_146 = tpu.memref_slice %arg5[%dma_start3A_141, %dma_start3A_145] : memref<16x128xi32, #tpu.memory_space<vmem>> -> memref<1x128xi32, #tpu.memory_space<vmem>>
      %dma_start3A_147 = tpu.memref_squeeze %dma_start3A_146 : memref<1x128xi32, #tpu.memory_space<vmem>> -> memref<128xi32, #tpu.memory_space<vmem>>
      %dma_start3A_148 = arith.constant 0 : i32
      %dma_start3A_149 = arith.constant 0 : i32
      %dma_start3A_150 = tpu.memref_slice %arg2[%dma_start3A_148, %dma_start3A_149] : memref<256x8xf32, #tpu.memory_space<hbm>> -> memref<256x8xf32, #tpu.memory_space<hbm>>
      tpu.enqueue_indirect_dma source(%dma_start3A_150 : memref<256x8xf32, #tpu.memory_space<hbm>>) target(%dma_start3A_144 : memref<128x8xf32, #tpu.memory_space<vmem>>) offsets(%dma_start3A_147 : memref<128xi32, #tpu.memory_space<vmem>>) semaphore(%arg7 : memref<!tpu.dma_semaphore, #tpu.memory_space<semaphore_mem>>)
      %dma_start3A_151 = arith.constant 14 : i32
      %dma_start3A_152 = arith.constant 1792 : i32
      %dma_start3A_153 = arith.constant 0 : i32
      %dma_start3A_154 = tpu.memref_slice %arg6[%dma_start3A_152, %dma_start3A_153] : memref<2048x8xf32, #tpu.memory_space<vmem>> -> memref<128x8xf32, #tpu.memory_space<vmem>>
      %dma_start3A_155 = arith.constant 0 : i32
      %dma_start3A_156 = tpu.memref_slice %arg5[%dma_start3A_151, %dma_start3A_155] : memref<16x128xi32, #tpu.memory_space<vmem>> -> memref<1x128xi32, #tpu.memory_space<vmem>>
      %dma_start3A_157 = tpu.memref_squeeze %dma_start3A_156 : memref<1x128xi32, #tpu.memory_space<vmem>> -> memref<128xi32, #tpu.memory_space<vmem>>
      %dma_start3A_158 = arith.constant 0 : i32
      %dma_start3A_159 = arith.constant 0 : i32
      %dma_start3A_160 = tpu.memref_slice %arg2[%dma_start3A_158, %dma_start3A_159] : memref<256x8xf32, #tpu.memory_space<hbm>> -> memref<256x8xf32, #tpu.memory_space<hbm>>
      tpu.enqueue_indirect_dma source(%dma_start3A_160 : memref<256x8xf32, #tpu.memory_space<hbm>>) target(%dma_start3A_154 : memref<128x8xf32, #tpu.memory_space<vmem>>) offsets(%dma_start3A_157 : memref<128xi32, #tpu.memory_space<vmem>>) semaphore(%arg7 : memref<!tpu.dma_semaphore, #tpu.memory_space<semaphore_mem>>)
      %dma_start3A_161 = arith.constant 15 : i32
      %dma_start3A_162 = arith.constant 1920 : i32
      %dma_start3A_163 = arith.constant 0 : i32
      %dma_start3A_164 = tpu.memref_slice %arg6[%dma_start3A_162, %dma_start3A_163] : memref<2048x8xf32, #tpu.memory_space<vmem>> -> memref<128x8xf32, #tpu.memory_space<vmem>>
      %dma_start3A_165 = arith.constant 0 : i32
      %dma_start3A_166 = tpu.memref_slice %arg5[%dma_start3A_161, %dma_start3A_165] : memref<16x128xi32, #tpu.memory_space<vmem>> -> memref<1x128xi32, #tpu.memory_space<vmem>>
      %dma_start3A_167 = tpu.memref_squeeze %dma_start3A_166 : memref<1x128xi32, #tpu.memory_space<vmem>> -> memref<128xi32, #tpu.memory_space<vmem>>
      %dma_start3A_168 = arith.constant 0 : i32
      %dma_start3A_169 = arith.constant 0 : i32
      %dma_start3A_170 = tpu.memref_slice %arg2[%dma_start3A_168, %dma_start3A_169] : memref<256x8xf32, #tpu.memory_space<hbm>> -> memref<256x8xf32, #tpu.memory_space<hbm>>
      tpu.enqueue_indirect_dma source(%dma_start3A_170 : memref<256x8xf32, #tpu.memory_space<hbm>>) target(%dma_start3A_164 : memref<128x8xf32, #tpu.memory_space<vmem>>) offsets(%dma_start3A_167 : memref<128xi32, #tpu.memory_space<vmem>>) semaphore(%arg7 : memref<!tpu.dma_semaphore, #tpu.memory_space<semaphore_mem>>)
      %dma_wait3A = arith.constant 0 : i32
      %dma_wait3A_171 = arith.constant 0 : i32
      %dma_wait3A_172 = arith.constant 0 : i32
      %dma_wait3A_173 = tpu.memref_slice %arg6[%dma_wait3A_171, %dma_wait3A_172] : memref<2048x8xf32, #tpu.memory_space<vmem>> -> memref<128x8xf32, #tpu.memory_space<vmem>>
      %dma_wait3A_174 = arith.constant 0 : i32
      %dma_wait3A_175 = tpu.memref_slice %arg5[%dma_wait3A, %dma_wait3A_174] : memref<16x128xi32, #tpu.memory_space<vmem>> -> memref<1x128xi32, #tpu.memory_space<vmem>>
      %dma_wait3A_176 = tpu.memref_squeeze %dma_wait3A_175 : memref<1x128xi32, #tpu.memory_space<vmem>> -> memref<128xi32, #tpu.memory_space<vmem>>
      %dma_wait3A_177 = arith.constant 0 : i32
      %dma_wait3A_178 = arith.constant 0 : i32
      %dma_wait3A_179 = tpu.memref_slice %arg2[%dma_wait3A_177, %dma_wait3A_178] : memref<256x8xf32, #tpu.memory_space<hbm>> -> memref<256x8xf32, #tpu.memory_space<hbm>>
      tpu.wait_indirect_dma semaphore(%arg7 : memref<!tpu.dma_semaphore, #tpu.memory_space<semaphore_mem>>) src(%dma_wait3A_179 : memref<256x8xf32, #tpu.memory_space<hbm>>) dst(%dma_wait3A_173 : memref<128x8xf32, #tpu.memory_space<vmem>>)
      %dma_wait3A_180 = arith.constant 1 : i32
      %dma_wait3A_181 = arith.constant 128 : i32
      %dma_wait3A_182 = arith.constant 0 : i32
      %dma_wait3A_183 = tpu.memref_slice %arg6[%dma_wait3A_181, %dma_wait3A_182] : memref<2048x8xf32, #tpu.memory_space<vmem>> -> memref<128x8xf32, #tpu.memory_space<vmem>>
      %dma_wait3A_184 = arith.constant 0 : i32
      %dma_wait3A_185 = tpu.memref_slice %arg5[%dma_wait3A_180, %dma_wait3A_184] : memref<16x128xi32, #tpu.memory_space<vmem>> -> memref<1x128xi32, #tpu.memory_space<vmem>>
      %dma_wait3A_186 = tpu.memref_squeeze %dma_wait3A_185 : memref<1x128xi32, #tpu.memory_space<vmem>> -> memref<128xi32, #tpu.memory_space<vmem>>
      %dma_wait3A_187 = arith.constant 0 : i32
      %dma_wait3A_188 = arith.constant 0 : i32
      %dma_wait3A_189 = tpu.memref_slice %arg2[%dma_wait3A_187, %dma_wait3A_188] : memref<256x8xf32, #tpu.memory_space<hbm>> -> memref<256x8xf32, #tpu.memory_space<hbm>>
      tpu.wait_indirect_dma semaphore(%arg7 : memref<!tpu.dma_semaphore, #tpu.memory_space<semaphore_mem>>) src(%dma_wait3A_189 : memref<256x8xf32, #tpu.memory_space<hbm>>) dst(%dma_wait3A_183 : memref<128x8xf32, #tpu.memory_space<vmem>>)
      %dma_wait3A_190 = arith.constant 2 : i32
      %dma_wait3A_191 = arith.constant 256 : i32
      %dma_wait3A_192 = arith.constant 0 : i32
      %dma_wait3A_193 = tpu.memref_slice %arg6[%dma_wait3A_191, %dma_wait3A_192] : memref<2048x8xf32, #tpu.memory_space<vmem>> -> memref<128x8xf32, #tpu.memory_space<vmem>>
      %dma_wait3A_194 = arith.constant 0 : i32
      %dma_wait3A_195 = tpu.memref_slice %arg5[%dma_wait3A_190, %dma_wait3A_194] : memref<16x128xi32, #tpu.memory_space<vmem>> -> memref<1x128xi32, #tpu.memory_space<vmem>>
      %dma_wait3A_196 = tpu.memref_squeeze %dma_wait3A_195 : memref<1x128xi32, #tpu.memory_space<vmem>> -> memref<128xi32, #tpu.memory_space<vmem>>
      %dma_wait3A_197 = arith.constant 0 : i32
      %dma_wait3A_198 = arith.constant 0 : i32
      %dma_wait3A_199 = tpu.memref_slice %arg2[%dma_wait3A_197, %dma_wait3A_198] : memref<256x8xf32, #tpu.memory_space<hbm>> -> memref<256x8xf32, #tpu.memory_space<hbm>>
      tpu.wait_indirect_dma semaphore(%arg7 : memref<!tpu.dma_semaphore, #tpu.memory_space<semaphore_mem>>) src(%dma_wait3A_199 : memref<256x8xf32, #tpu.memory_space<hbm>>) dst(%dma_wait3A_193 : memref<128x8xf32, #tpu.memory_space<vmem>>)
      %dma_wait3A_200 = arith.constant 3 : i32
      %dma_wait3A_201 = arith.constant 384 : i32
      %dma_wait3A_202 = arith.constant 0 : i32
      %dma_wait3A_203 = tpu.memref_slice %arg6[%dma_wait3A_201, %dma_wait3A_202] : memref<2048x8xf32, #tpu.memory_space<vmem>> -> memref<128x8xf32, #tpu.memory_space<vmem>>
      %dma_wait3A_204 = arith.constant 0 : i32
      %dma_wait3A_205 = tpu.memref_slice %arg5[%dma_wait3A_200, %dma_wait3A_204] : memref<16x128xi32, #tpu.memory_space<vmem>> -> memref<1x128xi32, #tpu.memory_space<vmem>>
      %dma_wait3A_206 = tpu.memref_squeeze %dma_wait3A_205 : memref<1x128xi32, #tpu.memory_space<vmem>> -> memref<128xi32, #tpu.memory_space<vmem>>
      %dma_wait3A_207 = arith.constant 0 : i32
      %dma_wait3A_208 = arith.constant 0 : i32
      %dma_wait3A_209 = tpu.memref_slice %arg2[%dma_wait3A_207, %dma_wait3A_208] : memref<256x8xf32, #tpu.memory_space<hbm>> -> memref<256x8xf32, #tpu.memory_space<hbm>>
      tpu.wait_indirect_dma semaphore(%arg7 : memref<!tpu.dma_semaphore, #tpu.memory_space<semaphore_mem>>) src(%dma_wait3A_209 : memref<256x8xf32, #tpu.memory_space<hbm>>) dst(%dma_wait3A_203 : memref<128x8xf32, #tpu.memory_space<vmem>>)
      %dma_wait3A_210 = arith.constant 4 : i32
      %dma_wait3A_211 = arith.constant 512 : i32
      %dma_wait3A_212 = arith.constant 0 : i32
      %dma_wait3A_213 = tpu.memref_slice %arg6[%dma_wait3A_211, %dma_wait3A_212] : memref<2048x8xf32, #tpu.memory_space<vmem>> -> memref<128x8xf32, #tpu.memory_space<vmem>>
      %dma_wait3A_214 = arith.constant 0 : i32
      %dma_wait3A_215 = tpu.memref_slice %arg5[%dma_wait3A_210, %dma_wait3A_214] : memref<16x128xi32, #tpu.memory_space<vmem>> -> memref<1x128xi32, #tpu.memory_space<vmem>>
      %dma_wait3A_216 = tpu.memref_squeeze %dma_wait3A_215 : memref<1x128xi32, #tpu.memory_space<vmem>> -> memref<128xi32, #tpu.memory_space<vmem>>
      %dma_wait3A_217 = arith.constant 0 : i32
      %dma_wait3A_218 = arith.constant 0 : i32
      %dma_wait3A_219 = tpu.memref_slice %arg2[%dma_wait3A_217, %dma_wait3A_218] : memref<256x8xf32, #tpu.memory_space<hbm>> -> memref<256x8xf32, #tpu.memory_space<hbm>>
      tpu.wait_indirect_dma semaphore(%arg7 : memref<!tpu.dma_semaphore, #tpu.memory_space<semaphore_mem>>) src(%dma_wait3A_219 : memref<256x8xf32, #tpu.memory_space<hbm>>) dst(%dma_wait3A_213 : memref<128x8xf32, #tpu.memory_space<vmem>>)
      %dma_wait3A_220 = arith.constant 5 : i32
      %dma_wait3A_221 = arith.constant 640 : i32
      %dma_wait3A_222 = arith.constant 0 : i32
      %dma_wait3A_223 = tpu.memref_slice %arg6[%dma_wait3A_221, %dma_wait3A_222] : memref<2048x8xf32, #tpu.memory_space<vmem>> -> memref<128x8xf32, #tpu.memory_space<vmem>>
      %dma_wait3A_224 = arith.constant 0 : i32
      %dma_wait3A_225 = tpu.memref_slice %arg5[%dma_wait3A_220, %dma_wait3A_224] : memref<16x128xi32, #tpu.memory_space<vmem>> -> memref<1x128xi32, #tpu.memory_space<vmem>>
      %dma_wait3A_226 = tpu.memref_squeeze %dma_wait3A_225 : memref<1x128xi32, #tpu.memory_space<vmem>> -> memref<128xi32, #tpu.memory_space<vmem>>
      %dma_wait3A_227 = arith.constant 0 : i32
      %dma_wait3A_228 = arith.constant 0 : i32
      %dma_wait3A_229 = tpu.memref_slice %arg2[%dma_wait3A_227, %dma_wait3A_228] : memref<256x8xf32, #tpu.memory_space<hbm>> -> memref<256x8xf32, #tpu.memory_space<hbm>>
      tpu.wait_indirect_dma semaphore(%arg7 : memref<!tpu.dma_semaphore, #tpu.memory_space<semaphore_mem>>) src(%dma_wait3A_229 : memref<256x8xf32, #tpu.memory_space<hbm>>) dst(%dma_wait3A_223 : memref<128x8xf32, #tpu.memory_space<vmem>>)
      %dma_wait3A_230 = arith.constant 6 : i32
      %dma_wait3A_231 = arith.constant 768 : i32
      %dma_wait3A_232 = arith.constant 0 : i32
      %dma_wait3A_233 = tpu.memref_slice %arg6[%dma_wait3A_231, %dma_wait3A_232] : memref<2048x8xf32, #tpu.memory_space<vmem>> -> memref<128x8xf32, #tpu.memory_space<vmem>>
      %dma_wait3A_234 = arith.constant 0 : i32
      %dma_wait3A_235 = tpu.memref_slice %arg5[%dma_wait3A_230, %dma_wait3A_234] : memref<16x128xi32, #tpu.memory_space<vmem>> -> memref<1x128xi32, #tpu.memory_space<vmem>>
      %dma_wait3A_236 = tpu.memref_squeeze %dma_wait3A_235 : memref<1x128xi32, #tpu.memory_space<vmem>> -> memref<128xi32, #tpu.memory_space<vmem>>
      %dma_wait3A_237 = arith.constant 0 : i32
      %dma_wait3A_238 = arith.constant 0 : i32
      %dma_wait3A_239 = tpu.memref_slice %arg2[%dma_wait3A_237, %dma_wait3A_238] : memref<256x8xf32, #tpu.memory_space<hbm>> -> memref<256x8xf32, #tpu.memory_space<hbm>>
      tpu.wait_indirect_dma semaphore(%arg7 : memref<!tpu.dma_semaphore, #tpu.memory_space<semaphore_mem>>) src(%dma_wait3A_239 : memref<256x8xf32, #tpu.memory_space<hbm>>) dst(%dma_wait3A_233 : memref<128x8xf32, #tpu.memory_space<vmem>>)
      %dma_wait3A_240 = arith.constant 7 : i32
      %dma_wait3A_241 = arith.constant 896 : i32
      %dma_wait3A_242 = arith.constant 0 : i32
      %dma_wait3A_243 = tpu.memref_slice %arg6[%dma_wait3A_241, %dma_wait3A_242] : memref<2048x8xf32, #tpu.memory_space<vmem>> -> memref<128x8xf32, #tpu.memory_space<vmem>>
      %dma_wait3A_244 = arith.constant 0 : i32
      %dma_wait3A_245 = tpu.memref_slice %arg5[%dma_wait3A_240, %dma_wait3A_244] : memref<16x128xi32, #tpu.memory_space<vmem>> -> memref<1x128xi32, #tpu.memory_space<vmem>>
      %dma_wait3A_246 = tpu.memref_squeeze %dma_wait3A_245 : memref<1x128xi32, #tpu.memory_space<vmem>> -> memref<128xi32, #tpu.memory_space<vmem>>
      %dma_wait3A_247 = arith.constant 0 : i32
      %dma_wait3A_248 = arith.constant 0 : i32
      %dma_wait3A_249 = tpu.memref_slice %arg2[%dma_wait3A_247, %dma_wait3A_248] : memref<256x8xf32, #tpu.memory_space<hbm>> -> memref<256x8xf32, #tpu.memory_space<hbm>>
      tpu.wait_indirect_dma semaphore(%arg7 : memref<!tpu.dma_semaphore, #tpu.memory_space<semaphore_mem>>) src(%dma_wait3A_249 : memref<256x8xf32, #tpu.memory_space<hbm>>) dst(%dma_wait3A_243 : memref<128x8xf32, #tpu.memory_space<vmem>>)
      %dma_wait3A_250 = arith.constant 8 : i32
      %dma_wait3A_251 = arith.constant 1024 : i32
      %dma_wait3A_252 = arith.constant 0 : i32
      %dma_wait3A_253 = tpu.memref_slice %arg6[%dma_wait3A_251, %dma_wait3A_252] : memref<2048x8xf32, #tpu.memory_space<vmem>> -> memref<128x8xf32, #tpu.memory_space<vmem>>
      %dma_wait3A_254 = arith.constant 0 : i32
      %dma_wait3A_255 = tpu.memref_slice %arg5[%dma_wait3A_250, %dma_wait3A_254] : memref<16x128xi32, #tpu.memory_space<vmem>> -> memref<1x128xi32, #tpu.memory_space<vmem>>
      %dma_wait3A_256 = tpu.memref_squeeze %dma_wait3A_255 : memref<1x128xi32, #tpu.memory_space<vmem>> -> memref<128xi32, #tpu.memory_space<vmem>>
      %dma_wait3A_257 = arith.constant 0 : i32
      %dma_wait3A_258 = arith.constant 0 : i32
      %dma_wait3A_259 = tpu.memref_slice %arg2[%dma_wait3A_257, %dma_wait3A_258] : memref<256x8xf32, #tpu.memory_space<hbm>> -> memref<256x8xf32, #tpu.memory_space<hbm>>
      tpu.wait_indirect_dma semaphore(%arg7 : memref<!tpu.dma_semaphore, #tpu.memory_space<semaphore_mem>>) src(%dma_wait3A_259 : memref<256x8xf32, #tpu.memory_space<hbm>>) dst(%dma_wait3A_253 : memref<128x8xf32, #tpu.memory_space<vmem>>)
      %dma_wait3A_260 = arith.constant 9 : i32
      %dma_wait3A_261 = arith.constant 1152 : i32
      %dma_wait3A_262 = arith.constant 0 : i32
      %dma_wait3A_263 = tpu.memref_slice %arg6[%dma_wait3A_261, %dma_wait3A_262] : memref<2048x8xf32, #tpu.memory_space<vmem>> -> memref<128x8xf32, #tpu.memory_space<vmem>>
      %dma_wait3A_264 = arith.constant 0 : i32
      %dma_wait3A_265 = tpu.memref_slice %arg5[%dma_wait3A_260, %dma_wait3A_264] : memref<16x128xi32, #tpu.memory_space<vmem>> -> memref<1x128xi32, #tpu.memory_space<vmem>>
      %dma_wait3A_266 = tpu.memref_squeeze %dma_wait3A_265 : memref<1x128xi32, #tpu.memory_space<vmem>> -> memref<128xi32, #tpu.memory_space<vmem>>
      %dma_wait3A_267 = arith.constant 0 : i32
      %dma_wait3A_268 = arith.constant 0 : i32
      %dma_wait3A_269 = tpu.memref_slice %arg2[%dma_wait3A_267, %dma_wait3A_268] : memref<256x8xf32, #tpu.memory_space<hbm>> -> memref<256x8xf32, #tpu.memory_space<hbm>>
      tpu.wait_indirect_dma semaphore(%arg7 : memref<!tpu.dma_semaphore, #tpu.memory_space<semaphore_mem>>) src(%dma_wait3A_269 : memref<256x8xf32, #tpu.memory_space<hbm>>) dst(%dma_wait3A_263 : memref<128x8xf32, #tpu.memory_space<vmem>>)
      %dma_wait3A_270 = arith.constant 10 : i32
      %dma_wait3A_271 = arith.constant 1280 : i32
      %dma_wait3A_272 = arith.constant 0 : i32
      %dma_wait3A_273 = tpu.memref_slice %arg6[%dma_wait3A_271, %dma_wait3A_272] : memref<2048x8xf32, #tpu.memory_space<vmem>> -> memref<128x8xf32, #tpu.memory_space<vmem>>
      %dma_wait3A_274 = arith.constant 0 : i32
      %dma_wait3A_275 = tpu.memref_slice %arg5[%dma_wait3A_270, %dma_wait3A_274] : memref<16x128xi32, #tpu.memory_space<vmem>> -> memref<1x128xi32, #tpu.memory_space<vmem>>
      %dma_wait3A_276 = tpu.memref_squeeze %dma_wait3A_275 : memref<1x128xi32, #tpu.memory_space<vmem>> -> memref<128xi32, #tpu.memory_space<vmem>>
      %dma_wait3A_277 = arith.constant 0 : i32
      %dma_wait3A_278 = arith.constant 0 : i32
      %dma_wait3A_279 = tpu.memref_slice %arg2[%dma_wait3A_277, %dma_wait3A_278] : memref<256x8xf32, #tpu.memory_space<hbm>> -> memref<256x8xf32, #tpu.memory_space<hbm>>
      tpu.wait_indirect_dma semaphore(%arg7 : memref<!tpu.dma_semaphore, #tpu.memory_space<semaphore_mem>>) src(%dma_wait3A_279 : memref<256x8xf32, #tpu.memory_space<hbm>>) dst(%dma_wait3A_273 : memref<128x8xf32, #tpu.memory_space<vmem>>)
      %dma_wait3A_280 = arith.constant 11 : i32
      %dma_wait3A_281 = arith.constant 1408 : i32
      %dma_wait3A_282 = arith.constant 0 : i32
      %dma_wait3A_283 = tpu.memref_slice %arg6[%dma_wait3A_281, %dma_wait3A_282] : memref<2048x8xf32, #tpu.memory_space<vmem>> -> memref<128x8xf32, #tpu.memory_space<vmem>>
      %dma_wait3A_284 = arith.constant 0 : i32
      %dma_wait3A_285 = tpu.memref_slice %arg5[%dma_wait3A_280, %dma_wait3A_284] : memref<16x128xi32, #tpu.memory_space<vmem>> -> memref<1x128xi32, #tpu.memory_space<vmem>>
      %dma_wait3A_286 = tpu.memref_squeeze %dma_wait3A_285 : memref<1x128xi32, #tpu.memory_space<vmem>> -> memref<128xi32, #tpu.memory_space<vmem>>
      %dma_wait3A_287 = arith.constant 0 : i32
      %dma_wait3A_288 = arith.constant 0 : i32
      %dma_wait3A_289 = tpu.memref_slice %arg2[%dma_wait3A_287, %dma_wait3A_288] : memref<256x8xf32, #tpu.memory_space<hbm>> -> memref<256x8xf32, #tpu.memory_space<hbm>>
      tpu.wait_indirect_dma semaphore(%arg7 : memref<!tpu.dma_semaphore, #tpu.memory_space<semaphore_mem>>) src(%dma_wait3A_289 : memref<256x8xf32, #tpu.memory_space<hbm>>) dst(%dma_wait3A_283 : memref<128x8xf32, #tpu.memory_space<vmem>>)
      %dma_wait3A_290 = arith.constant 12 : i32
      %dma_wait3A_291 = arith.constant 1536 : i32
      %dma_wait3A_292 = arith.constant 0 : i32
      %dma_wait3A_293 = tpu.memref_slice %arg6[%dma_wait3A_291, %dma_wait3A_292] : memref<2048x8xf32, #tpu.memory_space<vmem>> -> memref<128x8xf32, #tpu.memory_space<vmem>>
      %dma_wait3A_294 = arith.constant 0 : i32
      %dma_wait3A_295 = tpu.memref_slice %arg5[%dma_wait3A_290, %dma_wait3A_294] : memref<16x128xi32, #tpu.memory_space<vmem>> -> memref<1x128xi32, #tpu.memory_space<vmem>>
      %dma_wait3A_296 = tpu.memref_squeeze %dma_wait3A_295 : memref<1x128xi32, #tpu.memory_space<vmem>> -> memref<128xi32, #tpu.memory_space<vmem>>
      %dma_wait3A_297 = arith.constant 0 : i32
      %dma_wait3A_298 = arith.constant 0 : i32
      %dma_wait3A_299 = tpu.memref_slice %arg2[%dma_wait3A_297, %dma_wait3A_298] : memref<256x8xf32, #tpu.memory_space<hbm>> -> memref<256x8xf32, #tpu.memory_space<hbm>>
      tpu.wait_indirect_dma semaphore(%arg7 : memref<!tpu.dma_semaphore, #tpu.memory_space<semaphore_mem>>) src(%dma_wait3A_299 : memref<256x8xf32, #tpu.memory_space<hbm>>) dst(%dma_wait3A_293 : memref<128x8xf32, #tpu.memory_space<vmem>>)
      %dma_wait3A_300 = arith.constant 13 : i32
      %dma_wait3A_301 = arith.constant 1664 : i32
      %dma_wait3A_302 = arith.constant 0 : i32
      %dma_wait3A_303 = tpu.memref_slice %arg6[%dma_wait3A_301, %dma_wait3A_302] : memref<2048x8xf32, #tpu.memory_space<vmem>> -> memref<128x8xf32, #tpu.memory_space<vmem>>
      %dma_wait3A_304 = arith.constant 0 : i32
      %dma_wait3A_305 = tpu.memref_slice %arg5[%dma_wait3A_300, %dma_wait3A_304] : memref<16x128xi32, #tpu.memory_space<vmem>> -> memref<1x128xi32, #tpu.memory_space<vmem>>
      %dma_wait3A_306 = tpu.memref_squeeze %dma_wait3A_305 : memref<1x128xi32, #tpu.memory_space<vmem>> -> memref<128xi32, #tpu.memory_space<vmem>>
      %dma_wait3A_307 = arith.constant 0 : i32
      %dma_wait3A_308 = arith.constant 0 : i32
      %dma_wait3A_309 = tpu.memref_slice %arg2[%dma_wait3A_307, %dma_wait3A_308] : memref<256x8xf32, #tpu.memory_space<hbm>> -> memref<256x8xf32, #tpu.memory_space<hbm>>
      tpu.wait_indirect_dma semaphore(%arg7 : memref<!tpu.dma_semaphore, #tpu.memory_space<semaphore_mem>>) src(%dma_wait3A_309 : memref<256x8xf32, #tpu.memory_space<hbm>>) dst(%dma_wait3A_303 : memref<128x8xf32, #tpu.memory_space<vmem>>)
      %dma_wait3A_310 = arith.constant 14 : i32
      %dma_wait3A_311 = arith.constant 1792 : i32
      %dma_wait3A_312 = arith.constant 0 : i32
      %dma_wait3A_313 = tpu.memref_slice %arg6[%dma_wait3A_311, %dma_wait3A_312] : memref<2048x8xf32, #tpu.memory_space<vmem>> -> memref<128x8xf32, #tpu.memory_space<vmem>>
      %dma_wait3A_314 = arith.constant 0 : i32
      %dma_wait3A_315 = tpu.memref_slice %arg5[%dma_wait3A_310, %dma_wait3A_314] : memref<16x128xi32, #tpu.memory_space<vmem>> -> memref<1x128xi32, #tpu.memory_space<vmem>>
      %dma_wait3A_316 = tpu.memref_squeeze %dma_wait3A_315 : memref<1x128xi32, #tpu.memory_space<vmem>> -> memref<128xi32, #tpu.memory_space<vmem>>
      %dma_wait3A_317 = arith.constant 0 : i32
      %dma_wait3A_318 = arith.constant 0 : i32
      %dma_wait3A_319 = tpu.memref_slice %arg2[%dma_wait3A_317, %dma_wait3A_318] : memref<256x8xf32, #tpu.memory_space<hbm>> -> memref<256x8xf32, #tpu.memory_space<hbm>>
      tpu.wait_indirect_dma semaphore(%arg7 : memref<!tpu.dma_semaphore, #tpu.memory_space<semaphore_mem>>) src(%dma_wait3A_319 : memref<256x8xf32, #tpu.memory_space<hbm>>) dst(%dma_wait3A_313 : memref<128x8xf32, #tpu.memory_space<vmem>>)
      %dma_wait3A_320 = arith.constant 15 : i32
      %dma_wait3A_321 = arith.constant 1920 : i32
      %dma_wait3A_322 = arith.constant 0 : i32
      %dma_wait3A_323 = tpu.memref_slice %arg6[%dma_wait3A_321, %dma_wait3A_322] : memref<2048x8xf32, #tpu.memory_space<vmem>> -> memref<128x8xf32, #tpu.memory_space<vmem>>
      %dma_wait3A_324 = arith.constant 0 : i32
      %dma_wait3A_325 = tpu.memref_slice %arg5[%dma_wait3A_320, %dma_wait3A_324] : memref<16x128xi32, #tpu.memory_space<vmem>> -> memref<1x128xi32, #tpu.memory_space<vmem>>
      %dma_wait3A_326 = tpu.memref_squeeze %dma_wait3A_325 : memref<1x128xi32, #tpu.memory_space<vmem>> -> memref<128xi32, #tpu.memory_space<vmem>>
      %dma_wait3A_327 = arith.constant 0 : i32
      %dma_wait3A_328 = arith.constant 0 : i32
      %dma_wait3A_329 = tpu.memref_slice %arg2[%dma_wait3A_327, %dma_wait3A_328] : memref<256x8xf32, #tpu.memory_space<hbm>> -> memref<256x8xf32, #tpu.memory_space<hbm>>
      tpu.wait_indirect_dma semaphore(%arg7 : memref<!tpu.dma_semaphore, #tpu.memory_space<semaphore_mem>>) src(%dma_wait3A_329 : memref<256x8xf32, #tpu.memory_space<hbm>>) dst(%dma_wait3A_323 : memref<128x8xf32, #tpu.memory_space<vmem>>)
      %mul3A_330 = arith.constant 16 : i32
      %mul3A_331 = arith.muli %scan3A_8, %mul3A_330 : i32
      %add3A_332 = arith.addi %mul3A_2, %mul3A_331 : i32
      %mul3A_333 = arith.constant 128 : i32
      %mul3A_334 = arith.muli %add3A_332, %mul3A_333 : i32
      "tpu.region"() ({
        %run_scoped3A = tpu.sem_alloc : memref<!tpu.dma_semaphore, #tpu.memory_space<semaphore_mem>>
        %dma_start3A_335 = arith.constant 0 : i32
        %dma_start3A_336 = tpu.memref_slice %arg4[%mul3A_334, %dma_start3A_335] : memref<3276800x8xf32, #tpu.memory_space<hbm>> -> memref<2048x8xf32, #tpu.memory_space<hbm>>
        %dma_start3A_337 = arith.constant 0 : i32
        %dma_start3A_338 = tpu.memref_slice %arg4[%mul3A_334, %dma_start3A_337] : memref<3276800x8xf32, #tpu.memory_space<hbm>> -> memref<2048x8xf32, #tpu.memory_space<hbm>>
        tpu.enqueue_dma source(%arg6 : memref<2048x8xf32, #tpu.memory_space<vmem>>) target(%dma_start3A_338 : memref<2048x8xf32, #tpu.memory_space<hbm>>) target_semaphore(%run_scoped3A : memref<!tpu.dma_semaphore, #tpu.memory_space<semaphore_mem>>)
        %dma_wait3A_339 = arith.constant 0 : i32
        %dma_wait3A_340 = tpu.memref_slice %arg4[%mul3A_334, %dma_wait3A_339] : memref<3276800x8xf32, #tpu.memory_space<hbm>> -> memref<2048x8xf32, #tpu.memory_space<hbm>>
        %dma_wait3A_341 = arith.constant 0 : i32
        %dma_wait3A_342 = tpu.memref_slice %arg4[%mul3A_334, %dma_wait3A_341] : memref<3276800x8xf32, #tpu.memory_space<hbm>> -> memref<2048x8xf32, #tpu.memory_space<hbm>>
        tpu.wait_dma2 semaphore(%run_scoped3A : memref<!tpu.dma_semaphore, #tpu.memory_space<semaphore_mem>>) src(%arg6 : memref<2048x8xf32, #tpu.memory_space<vmem>>) dst(%dma_wait3A_342 : memref<2048x8xf32, #tpu.memory_space<hbm>>)
        tpu.yield
      }) : () -> ()
    }
    %scan3A_7 = arith.constant 50 : i32
    return
  }
}

</mosaic_0001>

<sc_bundles>
// kernel: kernel.3.cloned.1.call-start
scs
__scs_entry_jumppad:
0x0: {  	(pc) =	sbr.rel $0x88, $3  }
0x1: {  	(tag) =	ssettag $0x0;
	lr =	simm.s32 $0x1  }
0x2: {  	[smem:$0x3F9F] =	sst lr;
	_ =	strace $0xD0000000  }
0x3: {  	_ = 	snop  }
0x4: {  	_ = 	snop  }
0x5: {  	_ = 	snop  }
0x6: {  	_ = 	snop  }
0x7: {  	_ = 	snop  }
__scs_overlays_trampoline_lowered:
0x8: {  	[smem:$0x3FAE] =	sst s0  }
0x9: {  	[smem:$0x3FAF] =	sst s1  }
0xa: {  	[smem:$0x3FB0] =	sst s2  }
0xb: {  	[smem:$0x3FB1] =	sst s3  }
0xc: {  	[smem:$0x3FB2] =	sst s4  }
0xd: {  	[smem:$0x3FB3] =	sst s5  }
0xe: {  	[smem:$0x3FB4] =	sst s6  }
0xf: {  	[smem:$0x3FB5] =	sst s7  }
0x10: {  	[smem:$0x3FB6] =	sst s8  }
0x11: {  	[smem:$0x3FB7] =	sst s9;
	s0 =	simm.s32 @!p0 $0x0  }
0x12: {  	s1 =	sld [smem:$0x3F9D];
	s0 =	simm.s32 @p0 $0x1  }
0x13: {  	[smem:$0x3FB8] =	sst s0;
	s0 =	simm.s32 @!p1 $0x0  }
0x14: {  	s2 =	sld [smem:$0x3F9C];
	s0 =	simm.s32 @p1 $0x1  }
0x15: {  	[smem:$0x3FB9] =	sst s0;
	s0 =	simm.s32 @!p2 $0x0  }
0x16: {  	s3 =	sld [smem:$0x3FDB];
	s0 =	simm.s32 @p2 $0x1  }
0x17: {  	s4 =	simm.s32 $0x1BF5;
	[smem:$0x3FBB] =	sst s0  }
0x18: {  	s0 =	sld [smem:$0x3F9E];
	_ =	swait.ge [sflag:s4], $0x0  }
0x19: {  	s7 =	sld [smem:$0x3F9F]  }
0x1a: {  	s8 =	sadd.s32 $0xFFFFE003, lr  }
0x1b: {  	s9 =	sadd.s32 $0xFFFFFEF7, lr;
	s5 =	simm.s32 $0xFFFFFFFF;
	p2 =	slt.u32 s8, $0xFFFFF086  }
0x1c: {  	p1 =	slt.u32 s9, $0xF7A;
	s5 =	simm.s32 @!p2 $0x0  }
0x1d: {  	s5 =	simm.s32 @p1 $0x1;
	p0 =	seq.s32 s7, s2  }
0x1e: {  	s7 =	smul.u32 @!p0 $0xF7A, s2;
	p2 =	seq.s32 @!p0 s5, $0x0  }
0x1f: {  	s9 =	smul.u32 $0xF7A, s1;
	s8 =	simm.s32 @!p0 $0x1BF5;
	p2 =	por !p2, p0  }
0x20: {  	[sflag:s8] =	ssyncset.s32 @!p0 $0xFFFFF086;
	s6 =	sadd.s32 @!p0 s3, s7;
	s7 =	simm.s32 @!p0 $0x108  }
0x21: {  	s3 =	sadd.s32 s3, s9;
	s6 =	sadd.s32 @!p0 $0x88, s6;
	s7 =	simm.s32 @p2 $0x1082  }
0x22: {  	[simem:s7], [sflag:s8] =	dma.local @!p0 [hbm:s6], $0xF7A  }
0x23: {  	s9 =	sor.u32 $0xD0000000, s2;
	s6 =	simm.s32 $0x108;
	_ =	swait.ge @!p0 [sflag:s8], $0x0  }
0x24: {  	s3 =	sadd.s32 $0x88, s3;
	s6 =	simm.s32 @!p1 $0x1082;
	[sflag:s4] =	ssyncset.s32 $0xFFFFF086  }
0x25: {  	[simem:s6], [sflag:s4] =	dma.local [hbm:s3], $0xF7A  }
0x26: {  	[smem:$0x3F9F] =	sst s1;
	(tag) =	ssettag s2;
	_ =	strace s9  }
0x27: {  	s1 =	sld [smem:$0x3FAF]  }
0x28: {  	s2 =	sld [smem:$0x3FB0]  }
0x29: {  	s4 =	sld [smem:$0x3FB2]  }
0x2a: {  	p0 =	seq.s32 s5, $0x0;
	s5 =	sld [smem:$0x3FB3]  }
0x2b: {  	s6 =	sld [smem:$0x3FB4]  }
0x2c: {  	s7 =	sld [smem:$0x3FB5]  }
0x2d: {  	s3 =	simm.s32 $0x108;
	s8 =	sld [smem:$0x3FB6]  }
0x2e: {  	s3 =	simm.s32 @!p0 $0x1082;
	s9 =	sld [smem:$0x3FB7]  }
0x2f: {  	lr =	sadd.s32 s0, s3;
	s0 =	sld [smem:$0x3FAE]  }
0x30: {  	s3 =	sld [smem:$0x3FB1]  }
0x31: {  	[smem:$0x3FBA] =	sst s10  }
0x32: {  	s10 =	sld [smem:$0x3FB8];
	_ =	sdelay $0x3  }
0x33: {  	p0 =	seq.s32 s10, $0x1;
	s10 =	sld [smem:$0x3FBA];
	_ =	sdelay $0x3  }
0x34: {  	[smem:$0x3FBA] =	sst s10  }
0x35: {  	s10 =	sld [smem:$0x3FB9];
	_ =	sdelay $0x3  }
0x36: {  	p1 =	seq.s32 s10, $0x1;
	s10 =	sld [smem:$0x3FBA];
	_ =	sdelay $0x3  }
0x37: {  	[smem:$0x3FBA] =	sst s10  }
0x38: {  	s10 =	sld [smem:$0x3FBB]  }
0x39: {  	_ = 	snop;
	(pc) =	sbr.ind lr, $3  }
0x3a: {  	_ = 	snop  }
0x3b: {  	_ = 	snop  }
0x3c: {  	p2 =	seq.s32 s10, $0x1;
	s10 =	sld [smem:$0x3FBA]  }
0x3d: {  	_ =	shalt  }
0x3e: {  	_ =	shalt  }
0x3f: {  	_ =	shalt  }
0x40: {  	_ =	shalt  }
0x41: {  	_ =	shalt  }
0x42: {  	_ =	shalt  }
0x43: {  	_ =	shalt  }
0x44: {  	_ =	shalt  }
0x45: {  	_ =	shalt  }
0x46: {  	_ =	shalt  }
0x47: {  	_ =	shalt  }
0x48: {  	_ =	shalt  }
0x49: {  	_ =	shalt  }
0x4a: {  	_ =	shalt  }
0x4b: {  	_ =	shalt  }
0x4c: {  	_ =	shalt  }
0x4d: {  	_ =	shalt  }
0x4e: {  	_ =	shalt  }
0x4f: {  	_ =	shalt  }
0x50: {  	_ =	shalt  }
0x51: {  	_ =	shalt  }
0x52: {  	_ =	shalt  }
0x53: {  	_ =	shalt  }
0x54: {  	_ =	shalt  }
0x55: {  	_ =	shalt  }
0x56: {  	_ =	shalt  }
0x57: {  	_ =	shalt  }
0x58: {  	_ =	shalt  }
0x59: {  	_ =	shalt  }
0x5a: {  	_ =	shalt  }
0x5b: {  	_ =	shalt  }
0x5c: {  	_ =	shalt  }
0x5d: {  	_ =	shalt  }
0x5e: {  	_ =	shalt  }
0x5f: {  	_ =	shalt  }
0x60: {  	_ =	shalt  }
0x61: {  	_ =	shalt  }
0x62: {  	_ =	shalt  }
0x63: {  	_ =	shalt  }
0x64: {  	_ =	shalt  }
0x65: {  	_ =	shalt  }
0x66: {  	_ =	shalt  }
0x67: {  	_ =	shalt  }
0x68: {  	_ =	shalt  }
0x69: {  	_ =	shalt  }
0x6a: {  	_ =	shalt  }
0x6b: {  	_ =	shalt  }
0x6c: {  	_ =	shalt  }
0x6d: {  	_ =	shalt  }
0x6e: {  	_ =	shalt  }
0x6f: {  	_ =	shalt  }
0x70: {  	_ =	shalt  }
0x71: {  	_ =	shalt  }
0x72: {  	_ =	shalt  }
0x73: {  	_ =	shalt  }
0x74: {  	_ =	shalt  }
0x75: {  	_ =	shalt  }
0x76: {  	_ =	shalt  }
0x77: {  	_ =	shalt  }
0x78: {  	_ =	shalt  }
0x79: {  	_ =	shalt  }
0x7a: {  	_ =	shalt  }
0x7b: {  	_ =	shalt  }
0x7c: {  	_ =	shalt  }
0x7d: {  	_ =	shalt  }
0x7e: {  	_ =	shalt  }
0x7f: {  	_ =	shalt  }
0x80: {  	_ =	shalt  }
0x81: {  	_ =	shalt  }
0x82: {  	_ =	shalt  }
0x83: {  	_ =	shalt  }
0x84: {  	_ =	shalt  }
0x85: {  	_ =	shalt  }
0x86: {  	_ =	shalt  }
0x87: {  	_ =	shalt  }
.Lfunc_end0:
.L_simem_size_0:
called_computation.2_lowered:
.L_overlay_start_0:
0x88: {  	s2 =	sld [smem:$0x3FD9]  }
0x89: {  	s3 =	sld [smem:$0x3FFE];
	_ =	sdelay $0x1  }
0x8a: {  	s1 =	srdreg.scid  }
0x8b: {  	s0 =	sand.u32 $0x1, s1  }
0x8c: {  	s17 =	sshll.u32 s0, $0xA;
	s2 =	sadd.s32 s3, s2  }
0x8d: {  	s2 =	sadd.s32 s2, s17  }
0x8e: {  	[smem:$0x3FC6] =	sst s2  }
0x8f: {  	_ = 	snop  }
0x90: {  	s2 =	sld [smem:$0x3FD0];
	(tm) =	ssettm $0x1  }
0x91: {  	s18 =	sld [smem:$0x3FFB];
	_ =	sdelay $0x3  }
0x92: {  	_ =	strace s18  }
0x93: {  	s3 =	sld [smem:$0x3FFC];
	_ =	sdelay $0x3  }
0x94: {  	_ =	strace s3  }
0x95: {  	s3 =	sld [smem:$0x3FFD];
	_ =	sdelay $0x3  }
0x96: {  	_ =	strace s3  }
0x97: {  	_ =	strace $0x8FFFFFFF  }
0x98: {  	s19 =	sld [smem:$0x3FDB];
	_ =	sdelay $0x1  }
0x99: {  	s4 =	simm.s32 $_scs_section_size  }
0x9a: {  	s5 =	simm.s32 $_size__tile_overlayer_lowered;
	s6 =	simm.s32 $_tile_overlayer_lowered  }
0x9b: {  	s22 =	simm.s32 $0x1BFF;
	s21 =	sshll.u32 s6, $0x1;
	s3 =	sadd.s32 s4, s19  }
0x9c: {  	s7 =	simm.s32 $0x0;
	s20 =	sshll.u32 s5, $0x1;
	s5 =	sadd.s32 s21, s3  }
0x9d: {  	[timem:s7], [sflag:s22] =	dma.local [hbm:s5], s20  }
0x9e: {  	_ =	swait.ge [sflag:s22], s20  }
0x9f: {  	s4 =	ssub.s32 $0x0, s20;
	[sflag:s22] =	ssyncset.done $0x0  }
0xa0: {  	[sflag:s22] =	ssyncadd.s32 s4;
	_ =	sdelay $0x1  }
0xa1: {  	s23 =	simm.s32 $0x1B8B  }
0xa2: {  	_ =	swait.ge [sflag:s23], $0x1  }
0xa3: {  	[sflag:s23] =	ssyncset.done $0x0  }
0xa4: {  	s25 =	simm.s32 $0x1B8E;
	s24 =	sld [smem:$0x3FFE];
	[sflag:s23] =	ssyncadd.s32 $0xFFFFFFFF  }
0xa5: {  	s26 =	simm.s32 $execute0_lowered;
	[smem:$0x3FD2] =	sst s25  }
0xa6: {  	s5 =	sshll.u32 s26, $0x1;
	_ =	strace $0x80000046;
	[dreg:$0x1] =	wrdreg $0xFFFFFFFF  }
0xa7: {  	s28 =	simm.s32 $_size_execute0_lowered;
	s3 =	sadd.s32 s3, s5;
	[dreg:$0x0] =	wrdreg $0x0  }
0xa8: {  	s5 =	sshll.u32 s28, $0x1;
	[dreg:$0x2] =	wrdreg s3  }
0xa9: {  	[dreg:$0x3] =	wrdreg s5  }
0xaa: {  	[dreg:$0x4] =	wrdreg $0xC0  }
0xab: {  	_ =	task [dreg:s7], $0x5FFFF  }
0xac: {  	[dreg:$0x1] =	wrdreg $0xFFFFFFFF  }
0xad: {  	[dreg:$0x0] =	wrdreg $0x60  }
0xae: {  	[dreg:$0x2] =	wrdreg s24  }
0xaf: {  	[dreg:$0x3] =	wrdreg s2  }
0xb0: {  	[dreg:$0x4] =	wrdreg $0x9  }
0xb1: {  	_ =	task.clear_ibuf [dreg:s7], $0x5FFFF;
	_ =	strace $0x90000046  }
0xb2: {  	s29 =	simm.s32 $0x9;
	_ =	strace $0x80000048  }
0xb3: {  	_ =	swait.ge [sflag:s29], $0x1  }
0xb4: {  	[sflag:s29] =	ssyncadd.s32 $0xFFFFFFFF  }
0xb5: {  	_ =	strace $0x90000048  }
0xb6: {  	_ =	sfence  }
0xb7: {  	s30 =	sld [smem:$0x0];
	_ =	sdelay $0x2  }
0xb8: {  	s31 =	sshll.u32 s1, $0xD;
	s1 =	sshrl.u32 s1, $0x2  }
0xb9: {  	s3 =	sand.u32 $0x4000, s31;
	s1 =	sadd.s32 s1, s30  }
0xba: {  	s0 =	sor.u32 s3, s0;
	s1 =	sshll.u32 s1, $0x11  }
0xbb: {  	s0 =	sor.u32 s1, s0  }
0xbc: {  	s0 =	sadd.s32 $0x8F2B, s0  }
0xbd: {  	[sflag:s0] =	ssyncadd.remote.s32 $0x1  }
0xbe: {  	_ =	sfence.sel $0xFFFF  }
0xbf: {  	[dreg:$0x0] =	wrdreg $0xFFFFFFFF;
	(pc) =	sbr.abs _section_cstart, $3  }
0xc0: {  	[dreg:$0x1] =	wrdreg $0xFFFFFFFF  }
0xc1: {  	_ =	task.clear_ibuf [dreg:s7], $0x2FFFF;
	_ =	strace $0x9FFFFFFF  }
0xc2: {  	(tm) =	ssettm $0x7FFFFFFF  }
0xc3: {  	_ =	shalt  }
tec
execute0_lowered:
.L_overlay_start_1:
0x0: {  	(tag) =	ssettag $0x1  }
0x1: {  	s0 =	srdreg.scid  }
0x2: {  	s1 =	stileid.u32;
	s3 =	rddreg [dreg:$0x0]  }
0x3: {  	s4 =	rddreg [dreg:$0x1];
	s19 =	simm.s32 $0xC00;
	s20 =	simm.s32 $0x100  }
0x4: {  	s21 =	simm.s32 $0x1000;
	s22 =	simm.s32 $0x180;
	s23 =	simm.s32 $0x1400  }
0x5: {  	s24 =	simm.s32 $0x200;
	s0 =	sand.u32 $0x1, s0;
	s1 =	smul.u32 $0x32000, s1  }
0x6: {  	s25 =	simm.s32 $0x1800;
	s26 =	simm.s32 $0x280;
	s2 =	smul.u32 $0x19000, s0  }
0x7: {  	s7 =	simm.s32 $0x80;
	s31 =	simm.s32 $0x1C00;
	s8 =	simm.s32 $0x800  }
0x8: {  	s9 =	simm.s32 $0x300;
	s1 =	sadd.s32 s2, s1;
	s2 =	simm.s32 $0x0  }
0x9: {  	s10 =	simm.s32 $0x2000;
	s11 =	simm.s32 $0x380;
	[smem:$0x7FF] =	sst s2  }
0xa: {  	s0 =	ssub.s32 $0x2, s0;
	_ =	strace $0x80000047;
	[dreg:$0x4] =	wrdreg s19  }
0xb: {  	s12 =	simm.s32 $0x2400;
	s6 =	sshrl.u32 s0, $0x1;
	[dreg:$0x5] =	wrdreg s20  }
0xc: {  	s13 =	simm.s32 $0x400;
	s0 =	ssub.s32 s0, s6;
	[dreg:$0x6] =	wrdreg s21  }
0xd: {  	s14 =	simm.s32 $0x2800;
	s0 =	smax.u32 s0, $0x1;
	[dreg:$0x7] =	wrdreg s22  }
0xe: {  	s15 =	simm.s32 $0x480;
	s16 =	simm.s32 $0x2C00;
	[dreg:$0xd] =	wrdreg s0  }
0xf: {  	s5 =	sshrl.u32 s1, $0x3;
	s1 =	sadd.s32 s4, s1;
	[dreg:$0x8] =	wrdreg s23  }
0x10: {  	s17 =	simm.s32 $0x500;
	s18 =	simm.s32 $0x3000;
	[dreg:$0xe] =	wrdreg s1  }
0x11: {  	s28 =	simm.s32 $0x780;
	s29 =	simm.s32 $0x4400;
	[dreg:$0x9] =	wrdreg s24  }
0x12: {  	s30 =	simm.s32 $0x1;
	s6 =	simm.s32 $0x2;
	[dreg:$0xa] =	wrdreg s25  }
0x13: {  	s5 =	sadd.s32 s5, s3;
	s3 =	sadd.s32 $0x64A00, s3;
	[dreg:$0xb] =	wrdreg s26  }
0x14: {  	[dreg:$0xc] =	wrdreg s31;
	s19 =	simm.s32 $0x580;
	s20 =	simm.s32 $0x3400  }
0x15: {  	s21 =	simm.s32 $0x600;
	s22 =	simm.s32 $0x3800;
	s23 =	simm.s32 $0x680  }
0x16: {  	s24 =	simm.s32 $0x3C00;
	s25 =	simm.s32 $0x700;
	s5 =	sadd.s32 $0xA00, s5  }
0x17: {  	s26 =	simm.s32 $0x4000;
	s1 =	simm.s32 $0x0;
	[dreg:$0x3] =	wrdreg s5  }
.LBB2_1:
0x18: {  	s0 =	rddreg [dreg:$0x3]  }
0x19: {  	[dreg:$0xf] =	wrdreg s1;
	s0 =	sadd.s32 $0x0, s0  }
0x1a: {  	[tilespmem:s2], [sflag:$0x2] =	stream.linear.gather [hbm4b:s0+s2], $0x800, $0x38;
	[tilespmem:$0x4800] =	vst v63  }
0x1b: {  	_ =	swait.ge [sflag:s6], $0x800  }
0x1c: {  	s0 =	rddreg [dreg:$0x5]  }
0x1d: {  	[sflag:s6] =	ssyncset.done $0x0;
	s31 =	rddreg [dreg:$0x4]  }
0x1e: {  	s5 =	rddreg [dreg:$0x6];
	[sflag:s6] =	ssyncadd.s32 $0xFFFFF800  }
0x1f: {  	[tilespmem:s8], [sflag:$0x1] =	stream.indirect.gather [hbm4b:s3+s7], $0x8, s2, s7, $0xb8;
	[tilespmem:$0x4800] =	vst v63  }
0x20: {  	s4 =	rddreg [dreg:$0x8]  }
0x21: {  	[tilespmem:s31], [sflag:$0x1] =	stream.indirect.gather [hbm4b:s3+s7], $0x8, s7, s7, $0xb8;
	[tilespmem:$0x4800] =	vst v63  }
0x22: {  	s31 =	rddreg [dreg:$0x7]  }
0x23: {  	[tilespmem:s5], [sflag:$0x1] =	stream.indirect.gather [hbm4b:s3+s7], $0x8, s0, s7, $0xb8;
	[tilespmem:$0x4800] =	vst v63  }
0x24: {  	s0 =	rddreg [dreg:$0xa]  }
0x25: {  	s5 =	rddreg [dreg:$0x9]  }
0x26: {  	[tilespmem:s4], [sflag:$0x1] =	stream.indirect.gather [hbm4b:s3+s7], $0x8, s31, s7, $0xb8;
	[tilespmem:$0x4800] =	vst v63  }
0x27: {  	s4 =	rddreg [dreg:$0xc]  }
0x28: {  	[tilespmem:s0], [sflag:$0x1] =	stream.indirect.gather [hbm4b:s3+s7], $0x8, s5, s7, $0xb8;
	[tilespmem:$0x4800] =	vst v63  }
0x29: {  	s31 =	rddreg [dreg:$0xb]  }
0x2a: {  	[tilespmem:s4], [sflag:$0x1] =	stream.indirect.gather [hbm4b:s3+s7], $0x8, s31, s7, $0xb8;
	[tilespmem:$0x4800] =	vst v63  }
0x2b: {  	_ = 	snop  }
0x2c: {  	[tilespmem:s10], [sflag:$0x1] =	stream.indirect.gather [hbm4b:s3+s7], $0x8, s9, s7, $0xb8;
	[tilespmem:$0x4800] =	vst v63  }
0x2d: {  	_ = 	snop  }
0x2e: {  	[tilespmem:s12], [sflag:$0x1] =	stream.indirect.gather [hbm4b:s3+s7], $0x8, s11, s7, $0xb8;
	[tilespmem:$0x4800] =	vst v63  }
0x2f: {  	_ = 	snop  }
0x30: {  	[tilespmem:s14], [sflag:$0x1] =	stream.indirect.gather [hbm4b:s3+s7], $0x8, s13, s7, $0xb8;
	[tilespmem:$0x4800] =	vst v63  }
0x31: {  	_ = 	snop  }
0x32: {  	[tilespmem:s16], [sflag:$0x1] =	stream.indirect.gather [hbm4b:s3+s7], $0x8, s15, s7, $0xb8;
	[tilespmem:$0x4800] =	vst v63  }
0x33: {  	_ = 	snop  }
0x34: {  	[tilespmem:s18], [sflag:$0x1] =	stream.indirect.gather [hbm4b:s3+s7], $0x8, s17, s7, $0xb8;
	[tilespmem:$0x4800] =	vst v63  }
0x35: {  	_ = 	snop  }
0x36: {  	[tilespmem:s20], [sflag:$0x1] =	stream.indirect.gather [hbm4b:s3+s7], $0x8, s19, s7, $0xb8;
	[tilespmem:$0x4800] =	vst v63  }
0x37: {  	_ = 	snop  }
0x38: {  	[tilespmem:s22], [sflag:$0x1] =	stream.indirect.gather [hbm4b:s3+s7], $0x8, s21, s7, $0xb8;
	[tilespmem:$0x4800] =	vst v63  }
0x39: {  	_ = 	snop  }
0x3a: {  	[tilespmem:s24], [sflag:$0x1] =	stream.indirect.gather [hbm4b:s3+s7], $0x8, s23, s7, $0xb8;
	[tilespmem:$0x4800] =	vst v63  }
0x3b: {  	_ = 	snop  }
0x3c: {  	[tilespmem:s26], [sflag:$0x1] =	stream.indirect.gather [hbm4b:s3+s7], $0x8, s25, s7, $0xb8;
	[tilespmem:$0x4800] =	vst v63  }
0x3d: {  	_ = 	snop  }
0x3e: {  	[tilespmem:s29], [sflag:$0x1] =	stream.indirect.gather [hbm4b:s3+s7], $0x8, s28, s7, $0xb8;
	[tilespmem:$0x4800] =	vst v63  }
0x3f: {  	_ =	swait.ge [sflag:s30], $0x400  }
0x40: {  	[sflag:s30] =	ssyncset.done $0x0  }
0x41: {  	[sflag:s30] =	ssyncadd.s32 $0xFFFFFC00  }
0x42: {  	_ =	swait.ge [sflag:s30], $0x400  }
0x43: {  	[sflag:s30] =	ssyncset.done $0x0  }
0x44: {  	[sflag:s30] =	ssyncadd.s32 $0xFFFFFC00  }
0x45: {  	_ =	swait.ge [sflag:s30], $0x400  }
0x46: {  	[sflag:s30] =	ssyncset.done $0x0  }
0x47: {  	[sflag:s30] =	ssyncadd.s32 $0xFFFFFC00  }
0x48: {  	_ =	swait.ge [sflag:s30], $0x400  }
0x49: {  	[sflag:s30] =	ssyncset.done $0x0  }
0x4a: {  	[sflag:s30] =	ssyncadd.s32 $0xFFFFFC00  }
0x4b: {  	_ =	swait.ge [sflag:s30], $0x400  }
0x4c: {  	[sflag:s30] =	ssyncset.done $0x0  }
0x4d: {  	[sflag:s30] =	ssyncadd.s32 $0xFFFFFC00  }
0x4e: {  	_ =	swait.ge [sflag:s30], $0x400  }
0x4f: {  	[sflag:s30] =	ssyncset.done $0x0  }
0x50: {  	[sflag:s30] =	ssyncadd.s32 $0xFFFFFC00  }
0x51: {  	_ =	swait.ge [sflag:s30], $0x400  }
0x52: {  	[sflag:s30] =	ssyncset.done $0x0  }
0x53: {  	[sflag:s30] =	ssyncadd.s32 $0xFFFFFC00  }
0x54: {  	_ =	swait.ge [sflag:s30], $0x400  }
0x55: {  	[sflag:s30] =	ssyncset.done $0x0  }
0x56: {  	[sflag:s30] =	ssyncadd.s32 $0xFFFFFC00  }
0x57: {  	_ =	swait.ge [sflag:s30], $0x400  }
0x58: {  	[sflag:s30] =	ssyncset.done $0x0  }
0x59: {  	[sflag:s30] =	ssyncadd.s32 $0xFFFFFC00  }
0x5a: {  	_ =	swait.ge [sflag:s30], $0x400  }
0x5b: {  	[sflag:s30] =	ssyncset.done $0x0  }
0x5c: {  	[sflag:s30] =	ssyncadd.s32 $0xFFFFFC00  }
0x5d: {  	_ =	swait.ge [sflag:s30], $0x400  }
0x5e: {  	[sflag:s30] =	ssyncset.done $0x0  }
0x5f: {  	[sflag:s30] =	ssyncadd.s32 $0xFFFFFC00  }
0x60: {  	_ =	swait.ge [sflag:s30], $0x400  }
0x61: {  	[sflag:s30] =	ssyncset.done $0x0  }
0x62: {  	[sflag:s30] =	ssyncadd.s32 $0xFFFFFC00  }
0x63: {  	_ =	swait.ge [sflag:s30], $0x400  }
0x64: {  	[sflag:s30] =	ssyncset.done $0x0  }
0x65: {  	[sflag:s30] =	ssyncadd.s32 $0xFFFFFC00  }
0x66: {  	_ =	swait.ge [sflag:s30], $0x400  }
0x67: {  	[sflag:s30] =	ssyncset.done $0x0  }
0x68: {  	[sflag:s30] =	ssyncadd.s32 $0xFFFFFC00  }
0x69: {  	_ =	swait.ge [sflag:s30], $0x400  }
0x6a: {  	[sflag:s30] =	ssyncset.done $0x0  }
0x6b: {  	[sflag:s30] =	ssyncadd.s32 $0xFFFFFC00  }
0x6c: {  	_ =	swait.ge [sflag:s30], $0x400  }
0x6d: {  	[sflag:s30] =	ssyncset.done $0x0;
	s5 =	rddreg [dreg:$0xe]  }
0x6e: {  	s1 =	simm.s32 $0x100;
	[sflag:s30] =	ssyncadd.s32 $0xFFFFFC00;
	s0 =	sadd.s32 $0x800, s5  }
.LBB2_2:
0x6f: {  	[hbm4b:s5+s2] =	stream.linear.scatter [tilespmem:s8], [sflag:$0x2], $0x4000, $0x38;
	[tilespmem:$0x4800] =	vst v63  }
0x70: {  	_ =	swait.ge [sflag:s6], $0x4000  }
0x71: {  	s4 =	smov.u32 s1;
	s31 =	rddreg [dreg:$0x3];
	[sflag:s6] =	ssyncset.done $0x0  }
0x72: {  	[sflag:s6] =	ssyncadd.s32 $0xFFFFC000;
	s4 =	sadd.s32 s4, s31  }
0x73: {  	[tilespmem:s2], [sflag:$0x2] =	stream.linear.gather [hbm4b:s4+s2], $0x800, $0x38;
	[tilespmem:$0x4800] =	vst v63  }
0x74: {  	_ =	swait.ge [sflag:s6], $0x800  }
0x75: {  	s4 =	rddreg [dreg:$0xc]  }
0x76: {  	s31 =	rddreg [dreg:$0xa]  }
0x77: {  	[sflag:s6] =	ssyncset.done $0x0;
	s9 =	rddreg [dreg:$0x5]  }
0x78: {  	s10 =	rddreg [dreg:$0x4];
	[sflag:s6] =	ssyncadd.s32 $0xFFFFF800  }
0x79: {  	[tilespmem:s8], [sflag:$0x1] =	stream.indirect.gather [hbm4b:s3+s7], $0x8, s2, s7, $0xb8;
	[tilespmem:$0x4800] =	vst v63  }
0x7a: {  	s11 =	rddreg [dreg:$0x6]  }
0x7b: {  	[tilespmem:s10], [sflag:$0x1] =	stream.indirect.gather [hbm4b:s3+s7], $0x8, s7, s7, $0xb8;
	[tilespmem:$0x4800] =	vst v63  }
0x7c: {  	s12 =	rddreg [dreg:$0x8]  }
0x7d: {  	[tilespmem:s11], [sflag:$0x1] =	stream.indirect.gather [hbm4b:s3+s7], $0x8, s9, s7, $0xb8;
	[tilespmem:$0x4800] =	vst v63  }
0x7e: {  	s10 =	rddreg [dreg:$0x7]  }
0x7f: {  	[tilespmem:s12], [sflag:$0x1] =	stream.indirect.gather [hbm4b:s3+s7], $0x8, s10, s7, $0xb8;
	[tilespmem:$0x4800] =	vst v63  }
0x80: {  	s9 =	rddreg [dreg:$0x9]  }
0x81: {  	[tilespmem:s31], [sflag:$0x1] =	stream.indirect.gather [hbm4b:s3+s7], $0x8, s9, s7, $0xb8;
	[tilespmem:$0x4800] =	vst v63  }
0x82: {  	s10 =	rddreg [dreg:$0xb]  }
0x83: {  	[tilespmem:s4], [sflag:$0x1] =	stream.indirect.gather [hbm4b:s3+s7], $0x8, s10, s7, $0xb8;
	[tilespmem:$0x4800] =	vst v63  }
0x84: {  	s9 =	simm.s32 $0x300;
	s10 =	simm.s32 $0x2000  }
0x85: {  	[tilespmem:s10], [sflag:$0x1] =	stream.indirect.gather [hbm4b:s3+s7], $0x8, s9, s7, $0xb8;
	[tilespmem:$0x4800] =	vst v63  }
0x86: {  	s11 =	simm.s32 $0x380;
	s12 =	simm.s32 $0x2400  }
0x87: {  	[tilespmem:s12], [sflag:$0x1] =	stream.indirect.gather [hbm4b:s3+s7], $0x8, s11, s7, $0xb8;
	[tilespmem:$0x4800] =	vst v63  }
0x88: {  	_ = 	snop  }
0x89: {  	[tilespmem:s14], [sflag:$0x1] =	stream.indirect.gather [hbm4b:s3+s7], $0x8, s13, s7, $0xb8;
	[tilespmem:$0x4800] =	vst v63  }
0x8a: {  	_ = 	snop  }
0x8b: {  	[tilespmem:s16], [sflag:$0x1] =	stream.indirect.gather [hbm4b:s3+s7], $0x8, s15, s7, $0xb8;
	[tilespmem:$0x4800] =	vst v63  }
0x8c: {  	_ = 	snop  }
0x8d: {  	[tilespmem:s18], [sflag:$0x1] =	stream.indirect.gather [hbm4b:s3+s7], $0x8, s17, s7, $0xb8;
	[tilespmem:$0x4800] =	vst v63  }
0x8e: {  	_ = 	snop  }
0x8f: {  	[tilespmem:s20], [sflag:$0x1] =	stream.indirect.gather [hbm4b:s3+s7], $0x8, s19, s7, $0xb8;
	[tilespmem:$0x4800] =	vst v63  }
0x90: {  	_ = 	snop  }
0x91: {  	[tilespmem:s22], [sflag:$0x1] =	stream.indirect.gather [hbm4b:s3+s7], $0x8, s21, s7, $0xb8;
	[tilespmem:$0x4800] =	vst v63  }
0x92: {  	_ = 	snop  }
0x93: {  	[tilespmem:s24], [sflag:$0x1] =	stream.indirect.gather [hbm4b:s3+s7], $0x8, s23, s7, $0xb8;
	[tilespmem:$0x4800] =	vst v63  }
0x94: {  	_ = 	snop  }
0x95: {  	[tilespmem:s26], [sflag:$0x1] =	stream.indirect.gather [hbm4b:s3+s7], $0x8, s25, s7, $0xb8;
	[tilespmem:$0x4800] =	vst v63  }
0x96: {  	_ = 	snop  }
0x97: {  	[tilespmem:s29], [sflag:$0x1] =	stream.indirect.gather [hbm4b:s3+s7], $0x8, s28, s7, $0xb8;
	[tilespmem:$0x4800] =	vst v63  }
0x98: {  	_ =	swait.ge [sflag:s30], $0x400  }
0x99: {  	[sflag:s30] =	ssyncset.done $0x0  }
0x9a: {  	[sflag:s30] =	ssyncadd.s32 $0xFFFFFC00  }
0x9b: {  	_ =	swait.ge [sflag:s30], $0x400  }
0x9c: {  	[sflag:s30] =	ssyncset.done $0x0  }
0x9d: {  	[sflag:s30] =	ssyncadd.s32 $0xFFFFFC00  }
0x9e: {  	_ =	swait.ge [sflag:s30], $0x400  }
0x9f: {  	[sflag:s30] =	ssyncset.done $0x0  }
0xa0: {  	[sflag:s30] =	ssyncadd.s32 $0xFFFFFC00  }
0xa1: {  	_ =	swait.ge [sflag:s30], $0x400  }
0xa2: {  	[sflag:s30] =	ssyncset.done $0x0  }
0xa3: {  	[sflag:s30] =	ssyncadd.s32 $0xFFFFFC00  }
0xa4: {  	_ =	swait.ge [sflag:s30], $0x400  }
0xa5: {  	[sflag:s30] =	ssyncset.done $0x0  }
0xa6: {  	[sflag:s30] =	ssyncadd.s32 $0xFFFFFC00  }
0xa7: {  	_ =	swait.ge [sflag:s30], $0x400  }
0xa8: {  	[sflag:s30] =	ssyncset.done $0x0  }
0xa9: {  	[sflag:s30] =	ssyncadd.s32 $0xFFFFFC00  }
0xaa: {  	_ =	swait.ge [sflag:s30], $0x400  }
0xab: {  	[sflag:s30] =	ssyncset.done $0x0  }
0xac: {  	[sflag:s30] =	ssyncadd.s32 $0xFFFFFC00  }
0xad: {  	_ =	swait.ge [sflag:s30], $0x400  }
0xae: {  	[sflag:s30] =	ssyncset.done $0x0  }
0xaf: {  	[sflag:s30] =	ssyncadd.s32 $0xFFFFFC00  }
0xb0: {  	_ =	swait.ge [sflag:s30], $0x400  }
0xb1: {  	[sflag:s30] =	ssyncset.done $0x0  }
0xb2: {  	[sflag:s30] =	ssyncadd.s32 $0xFFFFFC00  }
0xb3: {  	_ =	swait.ge [sflag:s30], $0x400  }
0xb4: {  	[sflag:s30] =	ssyncset.done $0x0  }
0xb5: {  	[sflag:s30] =	ssyncadd.s32 $0xFFFFFC00  }
0xb6: {  	_ =	swait.ge [sflag:s30], $0x400  }
0xb7: {  	[sflag:s30] =	ssyncset.done $0x0  }
0xb8: {  	[sflag:s30] =	ssyncadd.s32 $0xFFFFFC00  }
0xb9: {  	_ =	swait.ge [sflag:s30], $0x400  }
0xba: {  	[sflag:s30] =	ssyncset.done $0x0  }
0xbb: {  	[sflag:s30] =	ssyncadd.s32 $0xFFFFFC00  }
0xbc: {  	_ =	swait.ge [sflag:s30], $0x400  }
0xbd: {  	[sflag:s30] =	ssyncset.done $0x0  }
0xbe: {  	[sflag:s30] =	ssyncadd.s32 $0xFFFFFC00  }
0xbf: {  	_ =	swait.ge [sflag:s30], $0x400  }
0xc0: {  	[sflag:s30] =	ssyncset.done $0x0  }
0xc1: {  	[sflag:s30] =	ssyncadd.s32 $0xFFFFFC00  }
0xc2: {  	p0 =	sne.s32 s1, $0x3100;
	_ =	swait.ge [sflag:s30], $0x400  }
.Ltmp0:
0xc3: {  	[sflag:s30] =	ssyncset.done $0x0;
	(pc) =	sbr.rel @p0 .LBB2_2-.Ltmp0, $4  }
0xc4: {  	[sflag:s30] =	ssyncadd.s32 $0xFFFFFC00  }
0xc5: {  	_ =	swait.ge [sflag:s30], $0x400  }
0xc6: {  	s5 =	smov.u32 s0;
	[sflag:s30] =	ssyncset.done $0x0  }
0xc7: {  	s1 =	sadd.s32 $0x100, s1;
	s0 =	sadd.s32 $0x800, s0;
	[sflag:s30] =	ssyncadd.s32 $0xFFFFFC00  }
0xc8: {  	[hbm4b:s5+s2] =	stream.linear.scatter [tilespmem:s8], [sflag:$0x2], $0x4000, $0x38;
	[tilespmem:$0x4800] =	vst v63  }
0xc9: {  	_ =	swait.ge [sflag:s6], $0x4000  }
0xca: {  	s1 =	rddreg [dreg:$0xf]  }
0xcb: {  	s0 =	rddreg [dreg:$0xd];
	s1 =	sadd.s32 $0x1, s1  }
0xcc: {  	p0 =	sne.s32 s1, s0  }
.Ltmp1:
0xcd: {  	_ = 	snop;
	(pc) =	sbr.rel @p0 .LBB2_1-.Ltmp1, $3  }
0xce: {  	_ =	sdelay $0x1  }
0xcf: {  	[sflag:s6] =	ssyncset.done $0x0  }
0xd0: {  	[sflag:s6] =	ssyncadd.s32 $0xFFFFC000  }
0xd1: {  	_ =	sfence.sel $0x180000  }
0xd2: {  	[bflag:$0x0] =	sbarrier.arrive $0xFFFF  }
0xd3: {  	_ =	strace $0x90000047  }
0xd4: {  	s0 =	stileid.u32;
	[bflag:$0x2] =	sbarrier.arrive $0xFFFF  }
0xd5: {  	p0 =	sne.s32 s0, $0x0;
	s0 =	rddreg [dreg:$0x2]  }
0xd6: {  	s0 =	sadd.s32 @!p0 $0x100000, s0  }
0xd7: {  	[sflag:s0] =	ssyncadd.tile.s32 @!p0 $0x1;
	_ =	shalt  }
.Lfunc_end2:
_tile_overlayer_lowered:
.L_overlay_start_2:
0xd8: {  	(tag) =	ssettag $0x2  }
0xd9: {  	s0 =	rddreg [dreg:$0x0];
	s2 =	stileid.u32  }
0xda: {  	s1 =	rddreg [dreg:$0x1];
	p0 =	sne.s32 s2, $0x0  }
0xdb: {  	s3 =	rddreg [dreg:$0x2];
	[bflag:$0x3] =	sbarrier.arrive $0xFFFF;
	s2 =	simm.s32 @!p0 $0x1C02  }
0xdc: {  	[timem:s3], [sflag:s2] =	dma.local @!p0 [hbm:s0], s1  }
0xdd: {  	s0 =	simm.s32 @!p0 $0x2  }
0xde: {  	_ =	swait.ge @!p0 [sflag:s0], s1  }
0xdf: {  	s1 =	ssub.s32 @!p0 $0x0, s1;
	[sflag:s0] =	ssyncset.done @!p0 $0x0  }
0xe0: {  	[sflag:s0] =	ssyncadd.s32 @!p0 s1  }
0xe1: {  	[bflag:$0x3] =	sbarrier.arrive $0xFFFF  }
0xe2: {  	_ =	shalt  }

// kernel: sparse-core-data-format-call.1.cloned.1.call-start
scs
called_computation.1_lowered:
.L_overlay_start_0:
0x0: {  	s1 =	sld [smem:$0x3FD9]  }
0x1: {  	s2 =	sld [smem:$0x3FFE];
	_ =	sdelay $0x1  }
0x2: {  	s3 =	srdreg.scid  }
0x3: {  	s0 =	sand.u32 $0x1, s3  }
0x4: {  	s17 =	sshll.u32 s0, $0xA;
	s1 =	sadd.s32 s2, s1  }
0x5: {  	s1 =	sadd.s32 s1, s17  }
0x6: {  	[smem:$0x3FC6] =	sst s1  }
0x7: {  	_ = 	snop  }
0x8: {  	(tm) =	ssettm $0x1  }
0x9: {  	s18 =	sld [smem:$0x3FFB];
	_ =	sdelay $0x3  }
0xa: {  	_ =	strace s18  }
0xb: {  	s1 =	sld [smem:$0x3FFC];
	_ =	sdelay $0x3  }
0xc: {  	_ =	strace s1  }
0xd: {  	s1 =	sld [smem:$0x3FFD];
	_ =	sdelay $0x3  }
0xe: {  	_ =	strace s1  }
0xf: {  	_ =	strace $0x8FFFFFFF  }
0x10: {  	s19 =	sld [smem:$0x3FDB];
	_ =	sdelay $0x1  }
0x11: {  	s20 =	simm.s32 $_scs_section_size  }
0x12: {  	s4 =	simm.s32 $_size__tile_overlayer_lowered;
	s5 =	simm.s32 $_tile_overlayer_lowered  }
0x13: {  	s23 =	simm.s32 $0x1BFF;
	s22 =	sshll.u32 s5, $0x1;
	s1 =	sadd.s32 s20, s19  }
0x14: {  	s6 =	simm.s32 $0x0;
	s21 =	sshll.u32 s4, $0x1;
	s4 =	sadd.s32 s22, s1  }
0x15: {  	[timem:s6], [sflag:s23] =	dma.local [hbm:s4], s21  }
0x16: {  	_ =	swait.ge [sflag:s23], s21  }
0x17: {  	s2 =	ssub.s32 $0x0, s21;
	[sflag:s23] =	ssyncset.done $0x0  }
0x18: {  	[sflag:s23] =	ssyncadd.s32 s2;
	_ =	sdelay $0x1  }
0x19: {  	s24 =	simm.s32 $0x1B8B  }
0x1a: {  	_ =	swait.ge [sflag:s24], $0x1  }
0x1b: {  	[sflag:s24] =	ssyncset.done $0x0  }
0x1c: {  	s26 =	simm.s32 $0x1B8E;
	s25 =	sld [smem:$0x3FFE];
	[sflag:s24] =	ssyncadd.s32 $0xFFFFFFFF  }
0x1d: {  	s27 =	simm.s32 $execute0_lowered;
	[smem:$0x3FD2] =	sst s26  }
0x1e: {  	s4 =	sshll.u32 s27, $0x1;
	_ =	strace $0x80000049;
	[dreg:$0x1] =	wrdreg $0xFFFFFFFF  }
0x1f: {  	s28 =	simm.s32 $_size_execute0_lowered;
	s1 =	sadd.s32 s1, s4;
	[dreg:$0x0] =	wrdreg $0x0  }
0x20: {  	s4 =	sshll.u32 s28, $0x1;
	[dreg:$0x2] =	wrdreg s1  }
0x21: {  	[dreg:$0x3] =	wrdreg s4  }
0x22: {  	[dreg:$0x4] =	wrdreg $0xC0  }
0x23: {  	_ =	task [dreg:s6], $0x5FFFF  }
0x24: {  	[dreg:$0x1] =	wrdreg $0xFFFFFFFF  }
0x25: {  	[dreg:$0x0] =	wrdreg $0x60  }
0x26: {  	[dreg:$0x2] =	wrdreg s25  }
0x27: {  	[dreg:$0x3] =	wrdreg $0x9  }
0x28: {  	_ =	task.clear_ibuf [dreg:s6], $0x4FFFF;
	_ =	strace $0x90000049  }
0x29: {  	s29 =	simm.s32 $0x9;
	_ =	strace $0x8000004B  }
0x2a: {  	_ =	swait.ge [sflag:s29], $0x1  }
0x2b: {  	[sflag:s29] =	ssyncadd.s32 $0xFFFFFFFF  }
0x2c: {  	_ =	strace $0x9000004B  }
0x2d: {  	_ =	sfence  }
0x2e: {  	s30 =	sld [smem:$0x0];
	_ =	sdelay $0x2  }
0x2f: {  	s31 =	sshll.u32 s3, $0xD;
	s3 =	sshrl.u32 s3, $0x2  }
0x30: {  	s2 =	sand.u32 $0x4000, s31;
	s1 =	sadd.s32 s3, s30  }
0x31: {  	s0 =	sor.u32 s2, s0;
	s1 =	sshll.u32 s1, $0x11  }
0x32: {  	s0 =	sor.u32 s1, s0  }
0x33: {  	s0 =	sadd.s32 $0x8F2B, s0  }
0x34: {  	[sflag:s0] =	ssyncadd.remote.s32 $0x1  }
0x35: {  	_ =	sfence.sel $0xFFFF  }
0x36: {  	[dreg:$0x0] =	wrdreg $0xFFFFFFFF;
	(pc) =	sbr.abs _section_cstart, $3  }
0x37: {  	[dreg:$0x1] =	wrdreg $0xFFFFFFFF  }
0x38: {  	_ =	task.clear_ibuf [dreg:s6], $0x2FFFF;
	_ =	strace $0x9FFFFFFF  }
0x39: {  	(tm) =	ssettm $0x7FFFFFFF  }
tec
execute0_lowered:
.L_overlay_start_1:
0x0: {  	(tag) =	ssettag $0x1  }
0x1: {  	s0 =	srdreg.scid  }
0x2: {  	s1 =	sshll.u32 s0, $0x4  }
0x3: {  	s0 =	stileid.u32;
	s1 =	sand.u32 $0x10, s1  }
0x4: {  	s6 =	rddreg [dreg:$0x0];
	s7 =	simm.s32 $0x1;
	s1 =	sor.u32 s0, s1  }
0x5: {  	s8 =	simm.s32 $0x2;
	s10 =	simm.s32 $0x0;
	s2 =	sshll.u32 s1, $0x7  }
0x6: {  	s9 =	simm.s32 $0x0;
	s3 =	sadd.s32 $0xA00, s6;
	s5 =	ssub.s32 $0x320000, s2  }
.Ltmp0:
0x7: {  	s6 =	sadd.s32 $0x3200A00, s6;
	s4 =	sand.u32 $0xF80, s5;
	(pc) =	sbr.rel .LBB1_1-.Ltmp0, $4  }
0x8: {  	s1 =	rddreg [dreg:$0x1];
	_ =	strace $0x8000004A;
	p0 =	sne.s32 s4, $0x0  }
0x9: {  	s5 =	sshrl.u32 s5, $0xC;
	s4 =	simm.s32 $0x1;
	s7 =	simm.s32 @!p0 $0x0  }
0xa: {  	[sflag:s4] =	ssyncpa.u1 $0x0;
	p0 =	por $0x0, $0x0;
	s5 =	sadd.s32 s7, s5  }
0xb: {  	[sflag:s8] =	ssyncpa.u1 $0x0;
	s8 =	smov.u32 s2;
	s7 =	sadd.s32 $0x1, s5  }
.LBB1_4:
0xc: {  	[tilespmem:s20+$0xFFFFFFFA ss:$0x81] =	vst.msk $0xff, v4  }
0xd: {  	v4 =	vld.msk [tilespmem:s21+$0xFFFFFFF0], $0xff;
	_ =	sdelay $0x3  }
0xe: {  	[tilespmem:s18+$0xFFFFFFFB ss:$0x81] =	vst.msk $0xff, v3  }
0xf: {  	v3 =	vld.msk [tilespmem:s19+$0xFFFFFFF8], $0xff;
	[tilespmem:s20+$0xFFFFFFFB ss:$0x81] =	vst.msk $0xff, v4  }
0x10: {  	v4 =	vld.msk [tilespmem:s21+$0xFFFFFFF8], $0xff;
	_ =	sdelay $0x3  }
0x11: {  	v5 =	vld.msk [tilespmem:s17+$0x0], $0xff;
	[tilespmem:s18+$0xFFFFFFFC ss:$0x81] =	vst.msk $0xff, v3  }
0x12: {  	v3 =	vld.msk [tilespmem:s19+$0x0], $0xff;
	[tilespmem:s20+$0xFFFFFFFC ss:$0x81] =	vst.msk $0xff, v4  }
0x13: {  	v4 =	vld.msk [tilespmem:s21+$0x0], $0xff;
	_ =	sdelay $0x2  }
0x14: {  	[tilespmem:s16+$0xFFFFFFFD ss:$0x81] =	vst.msk $0xff, v5  }
0x15: {  	v5 =	vld.msk [tilespmem:s17+$0x8], $0xff;
	[tilespmem:s18+$0xFFFFFFFD ss:$0x81] =	vst.msk $0xff, v3  }
0x16: {  	v3 =	vld.msk [tilespmem:s19+$0x8], $0xff;
	[tilespmem:s20+$0xFFFFFFFD ss:$0x81] =	vst.msk $0xff, v4  }
0x17: {  	v4 =	vld.msk [tilespmem:s21+$0x8], $0xff;
	_ =	sdelay $0x1  }
0x18: {  	[tilespmem:s13+$0xFFFFFFFE ss:$0x81] =	vst.msk $0xff, v2  }
0x19: {  	v2 =	vld.msk [tilespmem:s15+$0x10], $0xff;
	[tilespmem:s16+$0xFFFFFFFE ss:$0x81] =	vst.msk $0xff, v5  }
0x1a: {  	v5 =	vld.msk [tilespmem:s17+$0x10], $0xff;
	[tilespmem:s18+$0xFFFFFFFE ss:$0x81] =	vst.msk $0xff, v3  }
0x1b: {  	v3 =	vld.msk [tilespmem:s19+$0x10], $0xff;
	[tilespmem:s20+$0xFFFFFFFE ss:$0x81] =	vst.msk $0xff, v4  }
0x1c: {  	v4 =	vld.msk [tilespmem:s21+$0x10], $0xff  }
0x1d: {  	s23 =	sshll.u32 s10, $0x3;
	[tilespmem:s12+$0xFFFFFFFF ss:$0x81] =	vst.msk $0xff, v1  }
0x1e: {  	s26 =	sand.u32 $0x7F, s10;
	s24 =	sand.u32 $0xFFFFFC00, s23;
	v1 =	vld.msk [tilespmem:s14+$0x18], $0xff;
	[tilespmem:s13+$0xFFFFFFFF ss:$0x81] =	vst.msk $0xff, v2  }
0x1f: {  	s28 =	smulhi.u32 $0x51EB851F, s23;
	s10 =	sor.u32 s26, s24;
	v2 =	vld.msk [tilespmem:s15+$0x18], $0xff;
	[tilespmem:s16+$0xFFFFFFFF ss:$0x81] =	vst.msk $0xff, v5  }
0x20: {  	s27 =	smulhi.u32 $0x51EB851F, s10;
	v61 =	vld.msk [tilespmem:s17+$0x18], $0xff;
	[tilespmem:s18+$0xFFFFFFFF ss:$0x81] =	vst.msk $0xff, v3  }
0x21: {  	v62 =	vld.msk [tilespmem:s19+$0x18], $0xff;
	[tilespmem:s20+$0xFFFFFFFF ss:$0x81] =	vst.msk $0xff, v4  }
0x22: {  	[tilespmem:s11+$0x0 ss:$0x81] =	vst.msk $0xff, v0;
	s30 =	sshrl.u32 s28, $0x14;
	s29 =	sshrl.u32 s27, $0x14;
	v63 =	vld.msk [tilespmem:s21+$0x18], $0xff  }
0x23: {  	s31 =	sand.u32 $0x7, s30;
	[tilespmem:s12+$0x0 ss:$0x81] =	vst.msk $0xff, v1;
	s11 =	smul.u32 $0x320000, s29  }
0x24: {  	s12 =	smul.u32 $0x64000, s31;
	[tilespmem:s13+$0x0 ss:$0x81] =	vst.msk $0xff, v2  }
0x25: {  	s10 =	ssub.s32 s10, s11;
	[tilespmem:s16+$0x0 ss:$0x81] =	vst.msk $0xff, v61  }
0x26: {  	s12 =	sadd.s32 s6, s12;
	s11 =	sshrl.u32 s10, $0x3;
	[tilespmem:s18+$0x0 ss:$0x81] =	vst.msk $0xff, v62  }
0x27: {  	s10 =	sand.u32 $0x7, s10;
	s11 =	sadd.s32 s11, s12;
	[tilespmem:s20+$0x0 ss:$0x81] =	vst.msk $0xff, v63  }
0x28: {  	[hbm4b:s11+s10] =	stream.linear.scatter [tilespmem:s22], [sflag:$0x2], $0x400, $0x20;
	[tilespmem:$0x1010] =	vst v63  }
.LBB1_5:
0x29: {  	s12 =	sadd.s32 $0x1000, s8  }
0x2a: {  	p2 =	sgt.s32 s12, $0x31FFFF  }
0x2b: {  	s12 =	smov.u32 @p2 s2;
	p2 =	sne.s32 s9, s7  }
.Ltmp1:
0x2c: {  	p1 =	slt.u32 s9, $0x2;
	(pc) =	sbr.rel @!p2 .LBB1_6-.Ltmp1, $4  }
0x2d: {  	s11 =	simm.s32 @!p1 $0x2  }
0x2e: {  	s13 =	sadd.s32 $0x1, s9;
	_ =	swait.ge @!p1 [sflag:s11], $0x400  }
0x2f: {  	s10 =	smov.u32 s8;
	p0 =	por !p0, !p0;
	[sflag:s11] =	ssyncset.done @!p1 $0x0  }
0x30: {  	s9 =	smov.u32 s13;
	s8 =	smov.u32 s12;
	[sflag:s11] =	ssyncadd.s32 @!p1 $0xFFFFFC00  }
.LBB1_1:
0x31: {  	p1 =	sge.u32 s9, s5  }
0x32: {  	s11 =	sand.u32 @!p1 $0x1FFFFFF, s8  }
0x33: {  	s12 =	smulhi.u32 @!p1 $0x147AE15, s11;
	_ =	sdelay $0x1  }
0x34: {  	s12 =	sshrl.u32 @!p1 s12, $0xE  }
0x35: {  	s12 =	smul.u32 @!p1 $0x320000, s12;
	_ =	sdelay $0x1  }
0x36: {  	s31 =	sadd.s32 $0xFFFFFFFF, s9;
	s13 =	sxor.u32 @!p1 $0xFFFFFFFF, s9;
	s11 =	ssub.s32 @!p1 s11, s12  }
0x37: {  	s14 =	simm.s32 @!p1 $0x80;
	s13 =	sshll.u32 @!p1 s13, $0xA;
	s11 =	sshll.u32 @!p1 s11, $0x4  }
0x38: {  	s12 =	sand.u32 @!p1 $0x400, s13;
	s13 =	simm.s32 @!p1 $0x8;
	s11 =	sadd.s32 @!p1 s3, s11  }
0x39: {  	[tilespmem:s12], [sflag:$0x1] =	stream.strided.gather @!p1 [hbm4b:s11+s13], $0x400, s14, s13, $0x38;
	[tilespmem:$0x1010] =	vst v63  }
0x3a: {  	p1 =	sge.u32 s31, s5  }
.Ltmp2:
0x3b: {  	_ = 	snop;
	(pc) =	sbr.rel @p1 .LBB1_5-.Ltmp2, $1  }
0x3c: {  	_ =	sdelay $0x3  }
0x3d: {  	s11 =	simm.s32 $0x1  }
0x3e: {  	_ =	swait.ge [sflag:s4], $0x400;
	s11 =	simm.s32 @!p0 $0x0  }
0x3f: {  	[sflag:s4] =	ssyncset.done $0x0;
	s12 =	sshll.u32 s11, $0xA  }
0x40: {  	[sflag:s4] =	ssyncadd.s32 $0xFFFFFC00;
	s20 =	sor.u32 $0x20, s12  }
0x41: {  	v0 =	vld.msk [tilespmem:s20+$0xFFFFFFE0], $0xff  }
0x42: {  	s11 =	smul.u32 $0x1020, s11;
	_ =	sdelay $0x1  }
0x43: {  	s11 =	sshrl.u32 s11, $0x2  }
0x44: {  	s11 =	sor.u32 $0x807, s11  }
0x45: {  	[tilespmem:s11+$0xFFFFFFF9 ss:$0x81] =	vst.msk $0xff, v0  }
0x46: {  	v0 =	vld.msk [tilespmem:s20+$0xFFFFFFE8], $0xff  }
0x47: {  	s14 =	sadd.s32 $0x40, s20  }
0x48: {  	v1 =	vld.msk [tilespmem:s14+$0xFFFFFFE0], $0xff;
	_ =	sdelay $0x2  }
0x49: {  	[tilespmem:s11+$0xFFFFFFFA ss:$0x81] =	vst.msk $0xff, v0  }
0x4a: {  	s12 =	sadd.s32 $0x8, s11;
	v0 =	vld.msk [tilespmem:s20+$0xFFFFFFF0], $0xff  }
0x4b: {  	[tilespmem:s12+$0xFFFFFFF9 ss:$0x81] =	vst.msk $0xff, v1  }
0x4c: {  	v1 =	vld.msk [tilespmem:s14+$0xFFFFFFE8], $0xff  }
0x4d: {  	s15 =	sadd.s32 $0x40, s14  }
0x4e: {  	v2 =	vld.msk [tilespmem:s15+$0xFFFFFFE0], $0xff  }
0x4f: {  	[tilespmem:s11+$0xFFFFFFFB ss:$0x81] =	vst.msk $0xff, v0  }
0x50: {  	v0 =	vld.msk [tilespmem:s20+$0xFFFFFFF8], $0xff  }
0x51: {  	[tilespmem:s12+$0xFFFFFFFA ss:$0x81] =	vst.msk $0xff, v1  }
0x52: {  	s13 =	sadd.s32 $0x8, s12;
	v1 =	vld.msk [tilespmem:s14+$0xFFFFFFF0], $0xff  }
0x53: {  	[tilespmem:s13+$0xFFFFFFF9 ss:$0x81] =	vst.msk $0xff, v2  }
0x54: {  	s17 =	sadd.s32 $0x40, s15;
	v2 =	vld.msk [tilespmem:s15+$0xFFFFFFE8], $0xff  }
0x55: {  	[tilespmem:s11+$0xFFFFFFFC ss:$0x81] =	vst.msk $0xff, v0;
	v0 =	vld.msk [tilespmem:s17+$0xFFFFFFE0], $0xff  }
0x56: {  	v3 =	vld.msk [tilespmem:s20+$0x0], $0xff  }
0x57: {  	[tilespmem:s12+$0xFFFFFFFB ss:$0x81] =	vst.msk $0xff, v1  }
0x58: {  	v1 =	vld.msk [tilespmem:s14+$0xFFFFFFF8], $0xff  }
0x59: {  	s16 =	sadd.s32 $0x8, s13;
	[tilespmem:s13+$0xFFFFFFFA ss:$0x81] =	vst.msk $0xff, v2  }
0x5a: {  	v2 =	vld.msk [tilespmem:s15+$0xFFFFFFF0], $0xff;
	[tilespmem:s16+$0xFFFFFFF9 ss:$0x81] =	vst.msk $0xff, v0  }
0x5b: {  	v0 =	vld.msk [tilespmem:s17+$0xFFFFFFE8], $0xff;
	[tilespmem:s11+$0xFFFFFFFD ss:$0x81] =	vst.msk $0xff, v3  }
0x5c: {  	s19 =	sadd.s32 $0x40, s17;
	v3 =	vld.msk [tilespmem:s20+$0x8], $0xff  }
0x5d: {  	[tilespmem:s12+$0xFFFFFFFC ss:$0x81] =	vst.msk $0xff, v1;
	v1 =	vld.msk [tilespmem:s19+$0xFFFFFFE0], $0xff  }
0x5e: {  	v4 =	vld.msk [tilespmem:s14+$0x0], $0xff  }
0x5f: {  	[tilespmem:s13+$0xFFFFFFFB ss:$0x81] =	vst.msk $0xff, v2  }
0x60: {  	v2 =	vld.msk [tilespmem:s15+$0xFFFFFFF8], $0xff;
	[tilespmem:s16+$0xFFFFFFFA ss:$0x81] =	vst.msk $0xff, v0  }
0x61: {  	s18 =	sadd.s32 $0x8, s16;
	v0 =	vld.msk [tilespmem:s17+$0xFFFFFFF0], $0xff;
	[tilespmem:s11+$0xFFFFFFFE ss:$0x81] =	vst.msk $0xff, v3  }
0x62: {  	[tilespmem:s18+$0xFFFFFFF9 ss:$0x81] =	vst.msk $0xff, v1;
	v1 =	vld.msk [tilespmem:s20+$0x10], $0xff  }
0x63: {  	[tilespmem:s12+$0xFFFFFFFD ss:$0x81] =	vst.msk $0xff, v4;
	v3 =	vld.msk [tilespmem:s19+$0xFFFFFFE8], $0xff  }
0x64: {  	s21 =	sadd.s32 $0x40, s19;
	v4 =	vld.msk [tilespmem:s14+$0x8], $0xff  }
0x65: {  	[tilespmem:s13+$0xFFFFFFFC ss:$0x81] =	vst.msk $0xff, v2;
	v2 =	vld.msk [tilespmem:s21+$0xFFFFFFE0], $0xff  }
0x66: {  	v5 =	vld.msk [tilespmem:s15+$0x0], $0xff;
	[tilespmem:s16+$0xFFFFFFFB ss:$0x81] =	vst.msk $0xff, v0  }
0x67: {  	v6 =	vld.msk [tilespmem:s17+$0xFFFFFFF8], $0xff;
	[tilespmem:s11+$0xFFFFFFFF ss:$0x81] =	vst.msk $0xff, v1  }
0x68: {  	s22 =	sand.u32 $0x1, s9;
	[tilespmem:s18+$0xFFFFFFFA ss:$0x81] =	vst.msk $0xff, v3;
	v0 =	vld.msk [tilespmem:s20+$0x18], $0xff  }
0x69: {  	s22 =	smul.u32 $0x1020, s22;
	[tilespmem:s12+$0xFFFFFFFE ss:$0x81] =	vst.msk $0xff, v4;
	v3 =	vld.msk [tilespmem:s19+$0xFFFFFFF0], $0xff;
	s20 =	sadd.s32 $0x8, s18  }
0x6a: {  	v1 =	vld.msk [tilespmem:s14+$0x10], $0xff;
	[tilespmem:s20+$0xFFFFFFF9 ss:$0x81] =	vst.msk $0xff, v2  }
0x6b: {  	s22 =	sshrl.u32 s22, $0x2;
	[tilespmem:s13+$0xFFFFFFFD ss:$0x81] =	vst.msk $0xff, v5;
	v4 =	vld.msk [tilespmem:s21+$0xFFFFFFE8], $0xff  }
0x6c: {  	s23 =	simm.s32 $0x28;
	s22 =	sor.u32 $0x800, s22;
	s24 =	sadd.s32 $0x40, s21;
	v2 =	vld.msk [tilespmem:s15+$0x8], $0xff;
	[tilespmem:s16+$0xFFFFFFFC ss:$0x81] =	vst.msk $0xff, v6  }
.LBB1_3:
0x6d: {  	v5 =	vld.msk [tilespmem:s24+$0xFFFFFFE0], $0xff;
	[tilespmem:s11+$0x0 ss:$0x81] =	vst.msk $0xff, v0;
	s11 =	smov.u32 s12;
	s12 =	smov.u32 s13;
	s13 =	smov.u32 s16  }
0x6e: {  	s23 =	sadd.s32 $0x8, s23;
	s16 =	smov.u32 s18;
	[tilespmem:s18+$0xFFFFFFFB ss:$0x81] =	vst.msk $0xff, v3;
	v6 =	vld.msk [tilespmem:s17+$0x0], $0xff;
	s18 =	smov.u32 s20  }
0x6f: {  	p1 =	slt.u32 s23, $0x78;
	v7 =	vld.msk [tilespmem:s19+$0xFFFFFFF8], $0xff;
	[tilespmem:s11+$0xFFFFFFFF ss:$0x81] =	vst.msk $0xff, v1  }
.Ltmp3:
0x70: {  	[tilespmem:s20+$0xFFFFFFFA ss:$0x81] =	vst.msk $0xff, v4;
	v0 =	vld.msk [tilespmem:s14+$0x18], $0xff;
	s14 =	smov.u32 s15;
	s15 =	smov.u32 s17;
	(pc) =	sbr.rel @p1 .LBB1_3-.Ltmp3, $4  }
0x71: {  	s20 =	sadd.s32 $0x8, s20;
	s17 =	smov.u32 s19;
	s19 =	smov.u32 s21;
	v3 =	vld.msk [tilespmem:s21+$0xFFFFFFF0], $0xff;
	[tilespmem:s12+$0xFFFFFFFE ss:$0x81] =	vst.msk $0xff, v2  }
0x72: {  	s21 =	smov.u32 s24;
	[tilespmem:s20+$0xFFFFFFF9 ss:$0x81] =	vst.msk $0xff, v5;
	v1 =	vld.msk [tilespmem:s14+$0x10], $0xff  }
0x73: {  	v4 =	vld.msk [tilespmem:s24+$0xFFFFFFE8], $0xff;
	[tilespmem:s13+$0xFFFFFFFD ss:$0x81] =	vst.msk $0xff, v6  }
0x74: {  	s24 =	sadd.s32 $0x40, s24;
	[tilespmem:s16+$0xFFFFFFFC ss:$0x81] =	vst.msk $0xff, v7;
	v2 =	vld.msk [tilespmem:s15+$0x8], $0xff  }
.Ltmp4:
0x75: {  	_ = 	snop;
	(pc) =	sbr.rel .LBB1_4-.Ltmp4, $1  }
0x76: {  	_ =	sdelay $0x3  }
.LBB1_6:
0x77: {  	_ =	sfence.sel $0x180000  }
0x78: {  	s2 =	simm.s32 $0x1;
	[bflag:$0x0] =	sbarrier.arrive $0xFFFF  }
0x79: {  	s31 =	simm.s32 $0x2;
	[sflag:s2] =	ssyncpa.u1 $0x1  }
0x7a: {  	[sflag:s31] =	ssyncpa.u1 $0x1  }
0x7b: {  	p0 =	sne.s32 s0, $0x0;
	_ =	strace $0x9000004A  }
0x7c: {  	s0 =	sadd.s32 @!p0 $0x100000, s1;
	[bflag:$0x2] =	sbarrier.arrive $0xFFFF  }
0x7d: {  	[sflag:s0] =	ssyncadd.tile.s32 @!p0 $0x1;
	_ =	shalt  }
.Lfunc_end1:
_tile_overlayer_lowered:
.L_overlay_start_2:
0x7e: {  	(tag) =	ssettag $0x2  }
0x7f: {  	s0 =	rddreg [dreg:$0x0];
	s2 =	stileid.u32  }
0x80: {  	s1 =	rddreg [dreg:$0x1];
	p0 =	sne.s32 s2, $0x0  }
0x81: {  	s3 =	rddreg [dreg:$0x2];
	[bflag:$0x3] =	sbarrier.arrive $0xFFFF;
	s2 =	simm.s32 @!p0 $0x1C01  }
0x82: {  	[timem:s3], [sflag:s2] =	dma.local @!p0 [hbm:s0], s1  }
0x83: {  	s0 =	simm.s32 @!p0 $0x1  }
0x84: {  	_ =	swait.ge @!p0 [sflag:s0], s1  }
0x85: {  	s1 =	ssub.s32 @!p0 $0x0, s1;
	[sflag:s0] =	ssyncset.done @!p0 $0x0  }
0x86: {  	[sflag:s0] =	ssyncadd.s32 @!p0 s1  }
0x87: {  	[bflag:$0x3] =	sbarrier.arrive $0xFFFF  }
0x88: {  	_ =	shalt  }

// kernel: sparse-core-data-format-call.cloned.1.call-start
scs
called_computation_lowered:
.L_overlay_start_0:
0x0: {  	s2 =	sld [smem:$0x3FD9]  }
0x1: {  	s3 =	sld [smem:$0x3FFE];
	_ =	sdelay $0x1  }
0x2: {  	s1 =	srdreg.scid  }
0x3: {  	s0 =	sand.u32 $0x1, s1  }
0x4: {  	s18 =	sshll.u32 s0, $0xA;
	s2 =	sadd.s32 s3, s2  }
0x5: {  	s2 =	sadd.s32 s2, s18  }
0x6: {  	[smem:$0x3FC6] =	sst s2  }
0x7: {  	_ = 	snop  }
0x8: {  	s2 =	sld [smem:$0x3FD0];
	(tm) =	ssettm $0x1  }
0x9: {  	s19 =	sld [smem:$0x3FFB];
	_ =	sdelay $0x3  }
0xa: {  	_ =	strace s19  }
0xb: {  	s3 =	sld [smem:$0x3FFC];
	_ =	sdelay $0x3  }
0xc: {  	_ =	strace s3  }
0xd: {  	s3 =	sld [smem:$0x3FFD];
	_ =	sdelay $0x3  }
0xe: {  	_ =	strace s3  }
0xf: {  	_ =	strace $0x8FFFFFFF  }
0x10: {  	s20 =	sld [smem:$0x3FDB];
	_ =	sdelay $0x1  }
0x11: {  	s4 =	simm.s32 $_scs_section_size  }
0x12: {  	s5 =	simm.s32 $_size__tile_overlayer_lowered;
	s6 =	simm.s32 $_tile_overlayer_lowered  }
0x13: {  	s23 =	simm.s32 $0x1BFF;
	s22 =	sshll.u32 s6, $0x1;
	s3 =	sadd.s32 s4, s20  }
0x14: {  	s7 =	simm.s32 $0x0;
	s21 =	sshll.u32 s5, $0x1;
	s5 =	sadd.s32 s22, s3  }
0x15: {  	[timem:s7], [sflag:s23] =	dma.local [hbm:s5], s21  }
0x16: {  	_ =	swait.ge [sflag:s23], s21  }
0x17: {  	s4 =	ssub.s32 $0x0, s21;
	[sflag:s23] =	ssyncset.done $0x0  }
0x18: {  	[sflag:s23] =	ssyncadd.s32 s4;
	_ =	sdelay $0x1  }
0x19: {  	s24 =	simm.s32 $0x1B8B  }
0x1a: {  	_ =	swait.ge [sflag:s24], $0x1  }
0x1b: {  	[sflag:s24] =	ssyncset.done $0x0  }
0x1c: {  	s26 =	simm.s32 $0x1B8E;
	s25 =	sld [smem:$0x3FFE];
	[sflag:s24] =	ssyncadd.s32 $0xFFFFFFFF  }
0x1d: {  	s27 =	simm.s32 $execute0_lowered;
	[smem:$0x3FD2] =	sst s26  }
0x1e: {  	s5 =	sshll.u32 s27, $0x1;
	_ =	strace $0x8000004C;
	[dreg:$0x1] =	wrdreg $0xFFFFFFFF  }
0x1f: {  	s28 =	simm.s32 $_size_execute0_lowered;
	s3 =	sadd.s32 s3, s5;
	[dreg:$0x0] =	wrdreg $0x0  }
0x20: {  	s5 =	sshll.u32 s28, $0x1;
	[dreg:$0x2] =	wrdreg s3  }
0x21: {  	[dreg:$0x3] =	wrdreg s5  }
0x22: {  	[dreg:$0x4] =	wrdreg $0xC0  }
0x23: {  	_ =	task [dreg:s7], $0x5FFFF  }
0x24: {  	[dreg:$0x1] =	wrdreg $0xFFFFFFFF  }
0x25: {  	[dreg:$0x0] =	wrdreg $0x60  }
0x26: {  	[dreg:$0x2] =	wrdreg s25  }
0x27: {  	[dreg:$0x3] =	wrdreg s2  }
0x28: {  	[dreg:$0x4] =	wrdreg $0x9  }
0x29: {  	_ =	task.clear_ibuf [dreg:s7], $0x5FFFF;
	_ =	strace $0x9000004C  }
0x2a: {  	s29 =	simm.s32 $0x9;
	_ =	strace $0x8000004E  }
0x2b: {  	_ =	swait.ge [sflag:s29], $0x1  }
0x2c: {  	[sflag:s29] =	ssyncadd.s32 $0xFFFFFFFF  }
0x2d: {  	_ =	strace $0x9000004E  }
0x2e: {  	_ =	sfence  }
0x2f: {  	s30 =	sld [smem:$0x0];
	_ =	sdelay $0x2  }
0x30: {  	s31 =	sshll.u32 s1, $0xD;
	s1 =	sshrl.u32 s1, $0x2  }
0x31: {  	s3 =	sand.u32 $0x4000, s31;
	s1 =	sadd.s32 s1, s30  }
0x32: {  	s0 =	sor.u32 s3, s0;
	s1 =	sshll.u32 s1, $0x11  }
0x33: {  	s0 =	sor.u32 s1, s0  }
0x34: {  	s0 =	sadd.s32 $0x8F2B, s0  }
0x35: {  	[sflag:s0] =	ssyncadd.remote.s32 $0x1  }
0x36: {  	_ =	sfence.sel $0xFFFF  }
0x37: {  	[dreg:$0x0] =	wrdreg $0xFFFFFFFF;
	(pc) =	sbr.abs _section_cstart, $3  }
0x38: {  	[dreg:$0x1] =	wrdreg $0xFFFFFFFF  }
0x39: {  	_ =	task.clear_ibuf [dreg:s7], $0x2FFFF;
	_ =	strace $0x9FFFFFFF  }
0x3a: {  	(tm) =	ssettm $0x7FFFFFFF  }
0x3b: {  	_ =	shalt  }
tec
execute0_lowered:
.L_overlay_start_1:
0x0: {  	(tag) =	ssettag $0x1  }
0x1: {  	s0 =	stileid.u32;
	s5 =	rddreg [dreg:$0x0]  }
0x2: {  	s1 =	srdreg.scid;
	s4 =	rddreg [dreg:$0x1];
	_ =	strace $0x8000004D  }
0x3: {  	s31 =	simm.s32 $0x2;
	s22 =	simm.s32 $0x0;
	s10 =	simm.s32 $0x20000  }
0x4: {  	s20 =	simm.s32 $0x0;
	s21 =	simm.s32 $0x0;
	s23 =	simm.s32 $0x0  }
0x5: {  	s12 =	simm.s32 $0x0;
	s13 =	simm.s32 $0x0;
	s14 =	simm.s32 $0x0  }
0x6: {  	s15 =	simm.s32 $0x0;
	s2 =	sshll.u32 s0, $0x4;
	s1 =	sshll.u32 s1, $0x8  }
0x7: {  	s19 =	simm.s32 $0x0;
	s1 =	sor.u32 s2, s1;
	s2 =	sand.u32 $0x1, s0  }
0x8: {  	s5 =	sadd.s32 $0xA00, s5;
	s3 =	sand.u32 $0x180, s1;
	s6 =	ssub.s32 $0x2, s2  }
0x9: {  	s30 =	sshrl.u32 s0, $0x1;
	s7 =	ssub.s32 $0x4000, s3;
	s9 =	sshll.u32 s6, $0x1  }
0xa: {  	s1 =	simm.s32 $0x0;
	s8 =	sand.u32 $0x180, s7;
	s9 =	sand.u32 $0x2, s9  }
0xb: {  	s7 =	sshrl.u32 s7, $0x9;
	p0 =	sne.s32 s8, $0x0;
	s8 =	simm.s32 $0x1  }
.Ltmp0:
0xc: {  	s6 =	sadd.s32 s9, s6;
	s8 =	simm.s32 @!p0 $0x0;
	(pc) =	sbr.rel .LBB1_1-.Ltmp0, $4  }
0xd: {  	s18 =	smov.u32 s2;
	s29 =	sand.u32 $0x6, s6;
	s7 =	sadd.s32 s8, s7  }
0xe: {  	s16 =	smov.u32 s3;
	s6 =	simm.s32 $0x1;
	s7 =	smul.u32 s7, s29  }
0xf: {  	p0 =	por $0x0, $0x0;
	[sflag:s6] =	ssyncpa.u1 $0x0;
	s8 =	sand.u32 $0x3, s30  }
0x10: {  	[sflag:s31] =	ssyncpa.u1 $0x0;
	s17 =	smov.u32 s8;
	s9 =	sor.u32 $0x1, s7  }
.LBB1_4:
0x11: {  	[tilespmem:s26+$0x2040 ss:$0x81] =	vst.msk $0xffff, v4  }
0x12: {  	s28 =	sshra.s32 s28, $0x2;
	p2 =	sgt.s32 s14, $0x1;
	[tilespmem:s26+$0x2850 ss:$0x81] =	vst.msk $0xffff, v3  }
0x13: {  	s29 =	sshra.s32 s14, $0x1F;
	p1 =	sgt.s32 s1, $0x48;
	s30 =	smov.u32 s13;
	[tilespmem:s26+$0x3060 ss:$0x81] =	vst.msk $0xffff, v2  }
0x14: {  	s31 =	sshra.s32 s13, $0x1F;
	[tilespmem:s26+$0x0 ss:$0x81] =	vst.msk $0xffff, v0;
	s26 =	sand.u32 $0x78, s12;
	s27 =	sadd.s32 s28, s27  }
0x15: {  	s28 =	smov.u32 s14;
	s29 =	sand.u32 s29, s14;
	s11 =	sand.u32 s31, s13  }
0x16: {  	s31 =	sshra.s32 s12, $0x1F;
	s28 =	simm.s32 @!p2 $0x1;
	p2 =	sgt.s32 s13, $0x3  }
0x17: {  	s29 =	sxor.u32 $0xFFFFFFFF, s29;
	s31 =	sand.u32 s31, s12;
	s30 =	simm.s32 @!p2 $0x3  }
0x18: {  	s28 =	sadd.s32 s29, s28;
	p2 =	sgt.s32 s12, $0x3F80;
	s29 =	ssub.s32 s30, s11  }
0x19: {  	s30 =	smov.u32 s12;
	s11 =	smov.u32 s1;
	s0 =	sadd.s32 $0xFFFFFFFD, s29  }
0x1a: {  	s30 =	simm.s32 @!p2 $0x3F80;
	s11 =	simm.s32 @!p1 $0x48;
	p1 =	sgt.s32 s28, $0x0  }
0x1b: {  	s28 =	ssub.s32 $0x1, s28;
	s29 =	ssub.s32 $0x4, s29;
	p2 =	sgt.s32 s0, $0x0  }
0x1c: {  	v5 =	vld [tilespmem:s25+$0xFFFFFFD0];
	s0 =	ssub.s32 s30, s31;
	s31 =	sshra.s32 s1, $0x1F;
	s28 =	simm.s32 @p1 $0x0  }
0x1d: {  	v58 =	vld [tilespmem:s25+$0xFFFFFFE0];
	s30 =	sand.u32 s31, s1;
	s29 =	simm.s32 @p2 $0x0;
	s31 =	sadd.s32 $0xFFFFC080, s0  }
0x1e: {  	v59 =	vld [tilespmem:s25+$0xFFFFFFF0];
	s0 =	ssub.s32 $0x4000, s0;
	s11 =	ssub.s32 s11, s30;
	p1 =	sgt.s32 s31, $0x7F  }
0x1f: {  	v60 =	vld [tilespmem:s25+$0x0];
	s28 =	smul.u32 s28, s29;
	s30 =	sshll.u32 s13, $0x7;
	s31 =	sadd.s32 $0xFFFFFFB8, s11  }
0x20: {  	v61 =	vld [tilespmem:s25+$0x10];
	[tilespmem:s27+$0x3870 ss:$0x81] =	vst.msk $0xffff, v1;
	s0 =	simm.s32 @p1 $0x0;
	s29 =	sand.u32 $0x180, s30;
	s11 =	ssub.s32 $0xC8, s11  }
0x21: {  	v62 =	vld [tilespmem:s25+$0x20];
	[tilespmem:s27+$0x810 ss:$0x81] =	vst.msk $0xffff, v5;
	s30 =	sshll.u32 s14, $0xD;
	p1 =	sgt.s32 s31, $0x7F;
	s0 =	smul.u32 s0, s28  }
0x22: {  	v63 =	vld [tilespmem:s25+$0xFFFFFFC0];
	[tilespmem:s27+$0x1020 ss:$0x81] =	vst.msk $0xffff, v58;
	s31 =	sshll.u32 s12, $0x2;
	s26 =	sor.u32 s29, s26;
	s29 =	sshrl.u32 s12, $0x1  }
0x23: {  	[tilespmem:s27+$0x1830 ss:$0x81] =	vst.msk $0xffff, v59;
	s28 =	sand.u32 $0x3E00, s31;
	s11 =	simm.s32 @p1 $0x0;
	s31 =	sshll.u32 s1, $0xE  }
0x24: {  	[tilespmem:s27+$0x2040 ss:$0x81] =	vst.msk $0xffff, v60;
	s25 =	sor.u32 s28, s26;
	s0 =	smul.u32 s11, s0;
	s11 =	sadd.s32 s4, s30  }
0x25: {  	[tilespmem:s27+$0x2850 ss:$0x81] =	vst.msk $0xffff, v61;
	s28 =	sand.u32 $0x1800, s29;
	s30 =	sand.u32 $0x7, s12;
	s11 =	sadd.s32 s31, s11  }
0x26: {  	[tilespmem:s27+$0x3060 ss:$0x81] =	vst.msk $0xffff, v62;
	s25 =	sshrl.u32 s25, $0x3;
	s26 =	sshll.u32 s30, $0x12;
	s11 =	sadd.s32 s28, s11  }
0x27: {  	[tilespmem:s27+$0x0 ss:$0x81] =	vst.msk $0xffff, v63;
	s0 =	sand.u32 $0x3FFFFFFF, s0;
	s31 =	sor.u32 $0x80, s26;
	s11 =	sadd.s32 s25, s11  }
0x28: {  	[hbm4b:s11+s31] =	stream.strided.scatter [tilespmem:s24], [sflag:$0x2], s0, s10, s31, $0x20;
	[tilespmem:$0x10100] =	vst v63  }
.LBB1_5:
0x29: {  	p1 =	slt.u32 s19, $0x2;
	s0 =	smov.u32 s22  }
0x2a: {  	s24 =	sadd.s32 $0x80, s15;
	s25 =	smov.u32 s16;
	s26 =	smov.u32 s17  }
0x2b: {  	s27 =	smov.u32 s18;
	p0 =	por !p0, !p0;
	p2 =	sgt.s32 @!p1 s22, $0x48  }
0x2c: {  	s11 =	sshra.s32 @!p1 s22, $0x1F;
	p3 =	sgt.s32 @!p1 s21, $0x3;
	p4 =	sgt.s32 @!p1 s20, $0x3F80  }
0x2d: {  	p2 =	por !p2, p1;
	s11 =	sand.u32 @!p1 s11, s22;
	s22 =	sshra.s32 @!p1 s23, $0x1F  }
0x2e: {  	s0 =	simm.s32 @p2 $0x48;
	p2 =	sgt.s32 @!p1 s23, $0x1;
	s22 =	sand.u32 @!p1 s22, s23  }
0x2f: {  	s0 =	ssub.s32 @!p1 s0, s11;
	p2 =	por !p2, p1;
	s11 =	smov.u32 s23  }
0x30: {  	p3 =	por !p3, p1;
	s22 =	sxor.u32 @!p1 $0xFFFFFFFF, s22;
	s11 =	simm.s32 @p2 $0x1  }
0x31: {  	s23 =	sadd.s32 @!p1 $0xFFFFFFB8, s0;
	s11 =	sadd.s32 @!p1 s22, s11;
	s22 =	smov.u32 s21  }
0x32: {  	p2 =	sgt.s32 @!p1 s23, $0x7F;
	s23 =	sshra.s32 @!p1 s21, $0x1F;
	s22 =	simm.s32 @p3 $0x3  }
0x33: {  	s21 =	sand.u32 @!p1 s23, s21;
	p3 =	por !p4, p1;
	s23 =	smov.u32 s20  }
0x34: {  	s0 =	ssub.s32 @!p1 $0xC8, s0;
	s23 =	simm.s32 @p3 $0x3F80;
	p3 =	sgt.s32 @!p1 s11, $0x0  }
0x35: {  	s11 =	ssub.s32 @!p1 $0x1, s11;
	s21 =	ssub.s32 @!p1 s22, s21;
	s22 =	sshra.s32 @!p1 s20, $0x1F  }
0x36: {  	p3 =	por !p3, p1;
	s20 =	sand.u32 @!p1 s22, s20;
	s22 =	sadd.s32 @!p1 $0xFFFFFFFD, s21  }
0x37: {  	s11 =	simm.s32 @!p3 $0x0;
	p3 =	sgt.s32 @!p1 s22, $0x0;
	s20 =	ssub.s32 @!p1 s23, s20  }
0x38: {  	s21 =	ssub.s32 @!p1 $0x4, s21;
	p3 =	por !p3, p1;
	s22 =	sadd.s32 @!p1 $0xFFFFC080, s20  }
0x39: {  	p2 =	por !p2, p1;
	s21 =	simm.s32 @!p3 $0x0;
	p3 =	sgt.s32 @!p1 s22, $0x7F  }
0x3a: {  	s20 =	ssub.s32 @!p1 $0x4000, s20;
	p3 =	por !p3, p1;
	s11 =	smul.u32 @!p1 s11, s21  }
0x3b: {  	s21 =	sadd.s32 $0x200, s16;
	s20 =	simm.s32 @!p3 $0x0;
	p3 =	sgt.s32 s24, $0xC7  }
0x3c: {  	s0 =	simm.s32 @!p2 $0x0;
	s23 =	smov.u32 s14;
	s25 =	smov.u32 @p3 s21  }
0x3d: {  	s11 =	smul.u32 @!p1 s20, s11;
	s20 =	sadd.s32 $0x4, s17;
	p2 =	sgt.s32 s25, $0x3FFF  }
0x3e: {  	s14 =	smov.u32 s18;
	s24 =	simm.s32 @p3 $0x0;
	s26 =	smov.u32 @p2 s20  }
0x3f: {  	s0 =	smul.u32 @!p1 s0, s11;
	s11 =	sadd.s32 $0x2, s18;
	p3 =	sgt.s32 s26, $0x3  }
0x40: {  	s22 =	smov.u32 s1;
	s1 =	smov.u32 s15;
	s27 =	smov.u32 @p3 s11  }
0x41: {  	s21 =	smov.u32 s13;
	s25 =	smov.u32 @p2 s3;
	p2 =	sgt.s32 s27, $0x1  }
0x42: {  	s13 =	smov.u32 s17;
	s27 =	smov.u32 @p2 s2;
	p2 =	sne.s32 s19, s9  }
.Ltmp1:
0x43: {  	s15 =	smov.u32 s24;
	s20 =	smov.u32 s12;
	(pc) =	sbr.rel @!p2 .LBB1_6-.Ltmp1, $4  }
0x44: {  	s12 =	smov.u32 s16;
	s0 =	sand.u32 @!p1 $0x3FFFFFFF, s0;
	s11 =	simm.s32 @!p1 $0x2  }
0x45: {  	s16 =	smov.u32 s25;
	s26 =	smov.u32 @p3 s8;
	_ =	swait.ge @!p1 [sflag:s11], s0  }
0x46: {  	s0 =	ssub.s32 @!p1 $0x0, s0;
	s17 =	smov.u32 s26;
	[sflag:s11] =	ssyncset.done @!p1 $0x0  }
0x47: {  	s19 =	sadd.s32 $0x1, s19;
	[sflag:s11] =	ssyncadd.s32 @!p1 s0;
	s18 =	smov.u32 s27  }
.LBB1_1:
0x48: {  	p1 =	sge.u32 s19, s7;
	s31 =	sadd.s32 $0xFFFFFFFF, s19  }
0x49: {  	s24 =	sxor.u32 @!p1 $0xFFFFFFFF, s19;
	s25 =	sand.u32 @!p1 $0x78, s15;
	s26 =	sshll.u32 @!p1 s16, $0x8  }
0x4a: {  	s27 =	sshll.u32 @!p1 s15, $0x3;
	s24 =	sshll.u32 @!p1 s24, $0xE;
	s26 =	sand.u32 @!p1 $0x3FF800, s26  }
0x4b: {  	s28 =	sshll.u32 @!p1 s16, $0x7;
	s27 =	sand.u32 @!p1 $0x3FFC00, s27;
	s24 =	sand.u32 @!p1 $0x4000, s24  }
0x4c: {  	s26 =	sadd.s32 @!p1 s26, s27;
	s27 =	sand.u32 @!p1 $0x300, s28;
	s28 =	sand.u32 @!p1 $0x80, s28  }
0x4d: {  	s26 =	sor.u32 @!p1 s27, s26;
	s25 =	sor.u32 @!p1 s25, s28;
	s27 =	sshll.u32 @!p1 s18, $0x15  }
0x4e: {  	s28 =	sshll.u32 @!p1 s17, $0x13;
	s26 =	sshrl.u32 @!p1 s26, $0x3;
	s27 =	sadd.s32 @!p1 s5, s27  }
0x4f: {  	s25 =	sshrl.u32 @!p1 s25, $0x3;
	s27 =	sadd.s32 @!p1 s28, s27;
	s28 =	sand.u32 @!p1 $0x7, s15  }
0x50: {  	s26 =	sand.u32 @!p1 $0x7FFE0, s26;
	s25 =	sadd.s32 @!p1 s25, s27;
	s27 =	sshll.u32 @!p1 s28, $0x12  }
0x51: {  	s25 =	sadd.s32 @!p1 s26, s25;
	s26 =	sor.u32 @!p1 $0x400, s27;
	s27 =	simm.s32 @!p1 $0x800  }
0x52: {  	[tilespmem:s24], [sflag:$0x1] =	stream.strided.gather @!p1 [hbm4b:s25+s26], $0x4000, s27, s26, $0x38;
	[tilespmem:$0x10100] =	vst v63  }
0x53: {  	p1 =	sge.u32 s31, s7  }
.Ltmp2:
0x54: {  	_ = 	snop;
	(pc) =	sbr.rel @p1 .LBB1_5-.Ltmp2, $1  }
0x55: {  	_ =	sdelay $0x3  }
0x56: {  	s24 =	simm.s32 $0x1  }
0x57: {  	_ =	swait.ge [sflag:s6], $0x4000;
	s24 =	simm.s32 @!p0 $0x0  }
0x58: {  	[sflag:s6] =	ssyncset.done $0x0;
	s25 =	sshll.u32 s24, $0xE  }
0x59: {  	[sflag:s6] =	ssyncadd.s32 $0xFFFFC000;
	s25 =	sor.u32 $0x40, s25  }
0x5a: {  	s24 =	smul.u32 $0x10200, s24;
	v0 =	vld [tilespmem:s25+$0x30]  }
0x5b: {  	v1 =	vld [tilespmem:s25+$0xFFFFFFD0]  }
0x5c: {  	s24 =	sshrl.u32 s24, $0x2;
	v5 =	vld [tilespmem:s25+$0xFFFFFFE0]  }
0x5d: {  	v6 =	vld [tilespmem:s25+$0xFFFFFFF0];
	s27 =	sor.u32 $0x8000, s24  }
0x5e: {  	s31 =	sand.u32 $0x1, s19;
	v4 =	vld [tilespmem:s25+$0x0];
	s26 =	sadd.s32 $0x0, s27  }
0x5f: {  	v3 =	vld [tilespmem:s25+$0x10];
	s24 =	smul.u32 $0x10200, s31;
	[tilespmem:s26+$0x3870 ss:$0x81] =	vst.msk $0xffff, v0  }
0x60: {  	v2 =	vld [tilespmem:s25+$0x20];
	[tilespmem:s26+$0x810 ss:$0x81] =	vst.msk $0xffff, v1  }
0x61: {  	s24 =	sshrl.u32 s24, $0x2;
	v0 =	vld [tilespmem:s25+$0xFFFFFFC0];
	[tilespmem:s26+$0x1020 ss:$0x81] =	vst.msk $0xffff, v5;
	s25 =	sadd.s32 $0x80, s25  }
0x62: {  	s28 =	simm.s32 $0x4;
	s29 =	simm.s32 $0x8;
	s24 =	sor.u32 $0x8000, s24;
	[tilespmem:s26+$0x1830 ss:$0x81] =	vst.msk $0xffff, v6;
	v1 =	vld [tilespmem:s25+$0x30]  }
.LBB1_3:
0x63: {  	p1 =	sne.s32 s29, $0x1FC;
	v5 =	vld [tilespmem:s25+$0xFFFFFFD0];
	[tilespmem:s26+$0x2040 ss:$0x81] =	vst.msk $0xffff, v4  }
0x64: {  	v6 =	vld [tilespmem:s25+$0xFFFFFFE0];
	[tilespmem:s26+$0x2850 ss:$0x81] =	vst.msk $0xffff, v3  }
0x65: {  	s30 =	sshra.s32 s28, $0x2;
	s28 =	smov.u32 s29;
	v7 =	vld [tilespmem:s25+$0xFFFFFFF0];
	[tilespmem:s26+$0x3060 ss:$0x81] =	vst.msk $0xffff, v2  }
.Ltmp3:
0x66: {  	v4 =	vld [tilespmem:s25+$0x0];
	[tilespmem:s26+$0x0 ss:$0x81] =	vst.msk $0xffff, v0;
	s26 =	sadd.s32 s30, s27;
	(pc) =	sbr.rel @p1 .LBB1_3-.Ltmp3, $4  }
0x67: {  	v3 =	vld [tilespmem:s25+$0x10];
	[tilespmem:s26+$0x3870 ss:$0x81] =	vst.msk $0xffff, v1  }
0x68: {  	[tilespmem:s26+$0x810 ss:$0x81] =	vst.msk $0xffff, v5;
	v2 =	vld [tilespmem:s25+$0x20]  }
0x69: {  	v0 =	vld [tilespmem:s25+$0xFFFFFFC0];
	[tilespmem:s26+$0x1020 ss:$0x81] =	vst.msk $0xffff, v6;
	s25 =	sadd.s32 $0x80, s25  }
0x6a: {  	s29 =	sadd.s32 $0x4, s29;
	v1 =	vld [tilespmem:s25+$0x30];
	[tilespmem:s26+$0x1830 ss:$0x81] =	vst.msk $0xffff, v7  }
.Ltmp4:
0x6b: {  	_ = 	snop;
	(pc) =	sbr.rel .LBB1_4-.Ltmp4, $1  }
0x6c: {  	_ =	sdelay $0x3  }
.LBB1_6:
0x6d: {  	_ =	sfence.sel $0x180000  }
0x6e: {  	s0 =	simm.s32 $0x1;
	[bflag:$0x0] =	sbarrier.arrive $0xFFFF  }
0x6f: {  	s30 =	simm.s32 $0x2;
	[sflag:s0] =	ssyncpa.u1 $0x1  }
0x70: {  	[sflag:s30] =	ssyncpa.u1 $0x1  }
0x71: {  	_ =	strace $0x9000004D  }
0x72: {  	s31 =	stileid.u32;
	[bflag:$0x2] =	sbarrier.arrive $0xFFFF  }
0x73: {  	p0 =	sne.s32 s31, $0x0;
	s0 =	rddreg [dreg:$0x2]  }
0x74: {  	s0 =	sadd.s32 @!p0 $0x100000, s0  }
0x75: {  	[sflag:s0] =	ssyncadd.tile.s32 @!p0 $0x1;
	_ =	shalt  }
.Lfunc_end1:
_tile_overlayer_lowered:
.L_overlay_start_2:
0x76: {  	(tag) =	ssettag $0x2  }
0x77: {  	s0 =	rddreg [dreg:$0x0];
	s2 =	stileid.u32  }
0x78: {  	s1 =	rddreg [dreg:$0x1];
	p0 =	sne.s32 s2, $0x0  }
0x79: {  	s3 =	rddreg [dreg:$0x2];
	[bflag:$0x3] =	sbarrier.arrive $0xFFFF;
	s2 =	simm.s32 @!p0 $0x1C01  }
0x7a: {  	[timem:s3], [sflag:s2] =	dma.local @!p0 [hbm:s0], s1  }
0x7b: {  	s0 =	simm.s32 @!p0 $0x1  }
0x7c: {  	_ =	swait.ge @!p0 [sflag:s0], s1  }
0x7d: {  	s1 =	ssub.s32 @!p0 $0x0, s1;
	[sflag:s0] =	ssyncset.done @!p0 $0x0  }
0x7e: {  	[sflag:s0] =	ssyncadd.s32 @!p0 s1  }
0x7f: {  	[bflag:$0x3] =	sbarrier.arrive $0xFFFF  }
0x80: {  	_ =	shalt  }

</sc_bundles>
